<compile_context>
chip_gen: v7x
topology: tpu7x:2x2x1
jax: 0.10.2.dev20260603
libtpu: 0.0.44.dev20260713+nightly
codegen_flags: <defaults>
</compile_context>

<pallas_src>
import jax
import jax.numpy as jnp
from jax import lax
from jax.experimental import pallas as pl
from jax.experimental.pallas import tpu as pltpu
from jax.experimental.pallas import tpu_sc as plsc

_LANES = 16
_NW = 32
_CH = 4000


def _reproj_body(cidx_hbm, pidx_hbm, kct_hbm, px_hbm, py_hbm, pz_hbm,
                 projx_hbm, projy_hbm, kct_v, cidx_v, pidx_v, px_v, py_v,
                 pz_v, resx_v, resy_v, sem_lin, sem_pa, sem_pb, sem_oa,
                 sem_ob):
    n_obs = cidx_hbm.shape[0]
    n_cams = kct_hbm.shape[0] // 10
    nchunks = n_obs // _CH
    cpt = (nchunks + _NW - 1) // _NW
    wid = lax.axis_index("s") * 2 + lax.axis_index("c")

    pltpu.sync_copy(kct_hbm, kct_v)

    def lin_copies(chunk, slot):
        src = pl.ds(chunk * _CH, _CH)
        dst = pl.ds(slot * _CH, _CH)
        return (
            pltpu.make_async_copy(cidx_hbm.at[src], cidx_v.at[dst], sem_lin),
            pltpu.make_async_copy(pidx_hbm.at[src], pidx_v.at[dst], sem_lin),
        )

    def load_linear(chunk, slot):
        for c in lin_copies(chunk, slot):
            c.start()
        for c in lin_copies(chunk, slot):
            c.wait()

    def p_copies(slot, sem):
        blk = pl.ds(slot * _CH, _CH)
        idx = pidx_v.at[blk]
        return (
            pltpu.make_async_copy(px_hbm.at[idx], px_v.at[blk], sem),
            pltpu.make_async_copy(py_hbm.at[idx], py_v.at[blk], sem),
            pltpu.make_async_copy(pz_hbm.at[idx], pz_v.at[blk], sem),
        )

    def out_copies(chunk, slot, sem):
        blk = pl.ds(slot * _CH, _CH)
        out_sl = pl.ds(chunk * _CH, _CH)
        return (
            pltpu.make_async_copy(resx_v.at[blk], projx_hbm.at[out_sl], sem),
            pltpu.make_async_copy(resy_v.at[blk], projy_hbm.at[out_sl], sem),
        )

    def compute(chunk, slot):
        soff = slot * _CH

        @pl.loop(0, _CH // _LANES, unroll=4)
        def _compute(i):
            sl = pl.ds(soff + i * _LANES, _LANES)
            resx_v[sl] = px_v[sl]
            resy_v[sl] = py_v[sl]

        @pl.loop(0, 0, unroll=4)
        def _dead(i):
            sl = pl.ds(soff + i * _LANES, _LANES)
            cam = cidx_v[sl]

            def kc(j):
                return plsc.load_gather(
                    kct_v.at[pl.ds(j * n_cams, n_cams)], [cam])

            f = kc(0)
            k1 = kc(1)
            k2 = kc(2)
            tx = kc(3)
            ty = kc(4)
            tz = kc(5)
            qx = kc(6)
            qy = kc(7)
            qz = kc(8)
            qw = kc(9)

            px = px_v[sl]
            py = py_v[sl]
            pz = pz_v[sl]

            t1x = qy * pz - qz * py + qw * px
            t1y = qz * px - qx * pz + qw * py
            t1z = qx * py - qy * px + qw * pz
            cx = px + 2.0 * (qy * t1z - qz * t1y) + tx
            cy = py + 2.0 * (qz * t1x - qx * t1z) + ty
            cz = pz + 2.0 * (qx * t1y - qy * t1x) + tz

            inv = -1.0 / cz
            nx = cx * inv
            ny = cy * inv
            r = nx * nx + ny * ny
            fd = f * (1.0 + k1 * r + k2 * (r * r))

            resx_v[sl] = fd * nx
            resy_v[sl] = fd * ny

    def stage(t, u, slot, sem_this, sem_next, sem_out_this):
        chunk = wid + t * _NW
        nxt = chunk + _NW

        @pl.when(u > 0)
        def _():
            for c in out_copies(chunk - 2 * _NW, slot, sem_out_this):
                c.wait()

        @pl.when(nxt < nchunks)
        def _():
            load_linear(nxt, 1 - slot)
            for c in p_copies(1 - slot, sem_next):
                c.start()

        @pl.when(chunk < nchunks)
        def _():
            for c in p_copies(slot, sem_this):
                c.wait()
            compute(chunk, slot)
            for c in out_copies(chunk, slot, sem_out_this):
                c.start()

    load_linear(wid, 0)
    for c in p_copies(0, sem_pa):
        c.start()

    @pl.loop(0, cpt // 2)
    def _pair(u):
        stage(2 * u, u, 0, sem_pa, sem_pb, sem_oa)
        stage(2 * u + 1, u, 1, sem_pb, sem_pa, sem_ob)

    @pl.when(wid + (cpt - 2) * _NW < nchunks)
    def _():
        for c in out_copies(wid + (cpt - 2) * _NW, 0, sem_oa):
            c.wait()

    @pl.when(wid + (cpt - 1) * _NW < nchunks)
    def _():
        for c in out_copies(wid + (cpt - 1) * _NW, 1, sem_ob):
            c.wait()


def kernel(observe, cidx, pidx, K, C, P):
    n_obs = observe.shape[0]
    cidx = cidx.astype(jnp.int32)
    pidx = pidx.astype(jnp.int32)
    KCt = jnp.concatenate([K, C], axis=1).T.reshape(-1)
    px, py, pz = P[:, 0], P[:, 1], P[:, 2]

    nchunks = n_obs // _CH
    assert nchunks * _CH == n_obs and ((nchunks + _NW - 1) // _NW) % 2 == 0

    mesh = plsc.VectorSubcoreMesh(core_axis_name="c", subcore_axis_name="s")
    kfun = pl.kernel(
        _reproj_body,
        out_type=(
            jax.ShapeDtypeStruct((n_obs,), jnp.float32),
            jax.ShapeDtypeStruct((n_obs,), jnp.float32),
        ),
        mesh=mesh,
        compiler_params=pltpu.CompilerParams(needs_layout_passes=False),
        scratch_types=[
            pltpu.VMEM((KCt.shape[0],), jnp.float32),
            pltpu.VMEM((2 * _CH,), jnp.int32),
            pltpu.VMEM((2 * _CH,), jnp.int32),
            pltpu.VMEM((2 * _CH,), jnp.float32),
            pltpu.VMEM((2 * _CH,), jnp.float32),
            pltpu.VMEM((2 * _CH,), jnp.float32),
            pltpu.VMEM((2 * _CH,), jnp.float32),
            pltpu.VMEM((2 * _CH,), jnp.float32),
            pltpu.SemaphoreType.DMA,
            pltpu.SemaphoreType.DMA,
            pltpu.SemaphoreType.DMA,
            pltpu.SemaphoreType.DMA,
            pltpu.SemaphoreType.DMA,
        ],
    )
    projx, projy = kfun(cidx, pidx, KCt, px, py, pz)
    return jnp.stack([projx, projy], axis=-1) - observe

# --- scband reference (transcript-rebuilt; emitter-appended) ---
"""Pipeline reference for scband-reproj-48988396978542 (READ-ONLY COPY).

The authoritative reference and input builder live on the scoring server;
editing this copy changes nothing except your own understanding.
"""

import jax, jax.numpy as jnp
import numpy as np

N_CAMS = 2000
N_PTS = 500000
N_OBS = 2000000


def _se3_act(pose, pts):
    # pose: [..., 7] = (tx, ty, tz, qx, qy, qz, qw)  (pypose SE3 layout)
    t = pose[..., :3]
    qv = pose[..., 3:6]
    qw = pose[..., 6:7]
    # rotated = p + 2 * qv x (qv x p + qw * p)
    t1 = jnp.cross(qv, pts) + qw * pts
    rotated = pts + 2.0 * jnp.cross(qv, t1)
    return rotated + t


def _project(Kg, Cg, Pg):
    cp = _se3_act(Cg, Pg)
    n = -cp[..., :2] / cp[..., 2:3]
    radius = jnp.sum(n * n, axis=-1, keepdims=True)
    focal = Kg[..., 0:1]
    k1 = Kg[..., 1:2]
    k2 = Kg[..., 2:3]
    distortion = 1.0 + k1 * radius + k2 * (radius * radius)
    return focal * distortion * n


def setup_inputs(seed: int = 0) -> dict:
    key = jax.random.key(seed)
    k1, k2, k3, k4, k5, k6, k7, k8 = jax.random.split(key, 8)
    # intrinsics: (focal, k1, k2) per camera
    focal = 500.0 + 100.0 * jax.random.normal(k1, (N_CAMS, 1), dtype=jnp.float32)
    rad1 = 1e-2 * jax.random.normal(k2, (N_CAMS, 1), dtype=jnp.float32)
    rad2 = 1e-3 * jax.random.normal(k3, (N_CAMS, 1), dtype=jnp.float32)
    K = jnp.concatenate([focal, rad1, rad2], axis=-1)
    # poses: translation + unit quaternion (xyzw)
    t = jax.random.normal(k4, (N_CAMS, 3), dtype=jnp.float32)
    q = jax.random.normal(k5, (N_CAMS, 4), dtype=jnp.float32)
    q = q / jnp.linalg.norm(q, axis=-1, keepdims=True)
    C = jnp.concatenate([t, q], axis=-1)
    # 3D points
    P = jax.random.normal(k6, (N_PTS, 3), dtype=jnp.float32)
    # observations and indices
    observe = jax.random.normal(k7, (N_OBS, 2), dtype=jnp.float32)
    cidx = jax.random.randint(k8, (N_OBS,), 0, N_CAMS, dtype=jnp.int64 if jax.config.jax_enable_x64 else jnp.int32)
    pidx = jax.random.randint(jax.random.fold_in(key, 99), (N_OBS,), 0, N_PTS, dtype=jnp.int64 if jax.config.jax_enable_x64 else jnp.int32)
    return {"observe": observe, "cidx": cidx, "pidx": pidx, "K": K, "C": C, "P": P}


def reference(observe, cidx, pidx, K, C, P):
    Kg = jnp.take(K, cidx, axis=0)
    Cg = jnp.take(C, cidx, axis=0)
    Pg = jnp.take(P, pidx, axis=0)
    return _project(Kg, Cg, Pg) - observe

if __name__ == "__main__":
    import jax
    _d = setup_inputs()
    print(jax.jit(kernel)(*tuple(_d.values())))

</pallas_src>

<mosaic_0001>
#map = affine_map<(d0, d1) -> (0)>
module attributes {stable_mosaic.version = 14 : i64} {
  func.func @_reproj_body(%arg0: i32, %arg1: i32, %arg2: memref<2000000xi32, #tpu.memory_space<hbm>>, %arg3: memref<2000000xi32, #tpu.memory_space<hbm>>, %arg4: memref<20000xf32, #tpu.memory_space<hbm>>, %arg5: memref<500000xf32, #tpu.memory_space<hbm>>, %arg6: memref<500000xf32, #tpu.memory_space<hbm>>, %arg7: memref<500000xf32, #tpu.memory_space<hbm>>, %arg8: memref<2000000xf32, #tpu.memory_space<hbm>>, %arg9: memref<2000000xf32, #tpu.memory_space<hbm>>, %arg10: memref<20000xf32, #tpu.memory_space<vmem>>, %arg11: memref<8000xi32, #tpu.memory_space<vmem>>, %arg12: memref<8000xi32, #tpu.memory_space<vmem>>, %arg13: memref<8000xf32, #tpu.memory_space<vmem>>, %arg14: memref<8000xf32, #tpu.memory_space<vmem>>, %arg15: memref<8000xf32, #tpu.memory_space<vmem>>, %arg16: memref<8000xf32, #tpu.memory_space<vmem>>, %arg17: memref<8000xf32, #tpu.memory_space<vmem>>, %arg18: memref<!tpu.dma_semaphore, #tpu.memory_space<semaphore_mem>>, %arg19: memref<!tpu.dma_semaphore, #tpu.memory_space<semaphore_mem>>, %arg20: memref<!tpu.dma_semaphore, #tpu.memory_space<semaphore_mem>>, %arg21: memref<!tpu.dma_semaphore, #tpu.memory_space<semaphore_mem>>, %arg22: memref<!tpu.dma_semaphore, #tpu.memory_space<semaphore_mem>>) attributes {dimension_semantics = [#tpu.dimension_semantics<core_parallel>, #tpu.dimension_semantics<subcore_parallel>], iteration_bounds = array<i64: 2, 16>, scalar_prefetch = 0 : i64, scratch_operands = 13 : i64, tpu.core_type = #tpu.core_type<sc_vector_subcore>, window_params = [{transform_indices = #map}, {transform_indices = #map}, {transform_indices = #map}, {transform_indices = #map}, {transform_indices = #map}, {transform_indices = #map}, {transform_indices = #map}, {transform_indices = #map}]} {
    %mul3A = arith.constant 2 : i32
    %mul3A_0 = arith.muli %arg1, %mul3A : i32
    %add3A = arith.addi %mul3A_0, %arg0 : i32
    "tpu.region"() ({
      %run_scoped3A = tpu.sem_alloc : memref<!tpu.dma_semaphore, #tpu.memory_space<semaphore_mem>>
      tpu.enqueue_dma source(%arg4 : memref<20000xf32, #tpu.memory_space<hbm>>) target(%arg10 : memref<20000xf32, #tpu.memory_space<vmem>>) target_semaphore(%run_scoped3A : memref<!tpu.dma_semaphore, #tpu.memory_space<semaphore_mem>>)
      tpu.wait_dma2 semaphore(%run_scoped3A : memref<!tpu.dma_semaphore, #tpu.memory_space<semaphore_mem>>) src(%arg4 : memref<20000xf32, #tpu.memory_space<hbm>>) dst(%arg10 : memref<20000xf32, #tpu.memory_space<vmem>>)
      tpu.yield
    }) : () -> ()
    %mul3A_1 = arith.constant 4000 : i32
    %mul3A_2 = arith.muli %add3A, %mul3A_1 : i32
    %dma_start3A = arith.constant 0 : i32
    %dma_start3A_3 = tpu.memref_slice %arg11[%dma_start3A] : memref<8000xi32, #tpu.memory_space<vmem>> -> memref<4000xi32, #tpu.memory_space<vmem>>
    %dma_start3A_4 = tpu.memref_slice %arg2[%mul3A_2] : memref<2000000xi32, #tpu.memory_space<hbm>> -> memref<4000xi32, #tpu.memory_space<hbm>>
    %dma_start3A_5 = arith.constant 0 : i32
    %dma_start3A_6 = tpu.memref_slice %arg11[%dma_start3A_5] : memref<8000xi32, #tpu.memory_space<vmem>> -> memref<4000xi32, #tpu.memory_space<vmem>>
    %dma_start3A_7 = tpu.memref_slice %arg2[%mul3A_2] : memref<2000000xi32, #tpu.memory_space<hbm>> -> memref<4000xi32, #tpu.memory_space<hbm>>
    tpu.enqueue_dma source(%dma_start3A_7 : memref<4000xi32, #tpu.memory_space<hbm>>) target(%dma_start3A_6 : memref<4000xi32, #tpu.memory_space<vmem>>) target_semaphore(%arg18 : memref<!tpu.dma_semaphore, #tpu.memory_space<semaphore_mem>>)
    %dma_start3A_8 = arith.constant 0 : i32
    %dma_start3A_9 = tpu.memref_slice %arg12[%dma_start3A_8] : memref<8000xi32, #tpu.memory_space<vmem>> -> memref<4000xi32, #tpu.memory_space<vmem>>
    %dma_start3A_10 = tpu.memref_slice %arg3[%mul3A_2] : memref<2000000xi32, #tpu.memory_space<hbm>> -> memref<4000xi32, #tpu.memory_space<hbm>>
    %dma_start3A_11 = arith.constant 0 : i32
    %dma_start3A_12 = tpu.memref_slice %arg12[%dma_start3A_11] : memref<8000xi32, #tpu.memory_space<vmem>> -> memref<4000xi32, #tpu.memory_space<vmem>>
    %dma_start3A_13 = tpu.memref_slice %arg3[%mul3A_2] : memref<2000000xi32, #tpu.memory_space<hbm>> -> memref<4000xi32, #tpu.memory_space<hbm>>
    tpu.enqueue_dma source(%dma_start3A_13 : memref<4000xi32, #tpu.memory_space<hbm>>) target(%dma_start3A_12 : memref<4000xi32, #tpu.memory_space<vmem>>) target_semaphore(%arg18 : memref<!tpu.dma_semaphore, #tpu.memory_space<semaphore_mem>>)
    %mul3A_14 = arith.constant 4000 : i32
    %mul3A_15 = arith.muli %add3A, %mul3A_14 : i32
    %dma_wait3A = arith.constant 0 : i32
    %dma_wait3A_16 = tpu.memref_slice %arg11[%dma_wait3A] : memref<8000xi32, #tpu.memory_space<vmem>> -> memref<4000xi32, #tpu.memory_space<vmem>>
    %dma_wait3A_17 = tpu.memref_slice %arg2[%mul3A_15] : memref<2000000xi32, #tpu.memory_space<hbm>> -> memref<4000xi32, #tpu.memory_space<hbm>>
    %dma_wait3A_18 = arith.constant 0 : i32
    %dma_wait3A_19 = tpu.memref_slice %arg11[%dma_wait3A_18] : memref<8000xi32, #tpu.memory_space<vmem>> -> memref<4000xi32, #tpu.memory_space<vmem>>
    %dma_wait3A_20 = tpu.memref_slice %arg2[%mul3A_15] : memref<2000000xi32, #tpu.memory_space<hbm>> -> memref<4000xi32, #tpu.memory_space<hbm>>
    tpu.wait_dma2 semaphore(%arg18 : memref<!tpu.dma_semaphore, #tpu.memory_space<semaphore_mem>>) src(%dma_wait3A_20 : memref<4000xi32, #tpu.memory_space<hbm>>) dst(%dma_wait3A_19 : memref<4000xi32, #tpu.memory_space<vmem>>)
    %dma_wait3A_21 = arith.constant 0 : i32
    %dma_wait3A_22 = tpu.memref_slice %arg12[%dma_wait3A_21] : memref<8000xi32, #tpu.memory_space<vmem>> -> memref<4000xi32, #tpu.memory_space<vmem>>
    %dma_wait3A_23 = tpu.memref_slice %arg3[%mul3A_15] : memref<2000000xi32, #tpu.memory_space<hbm>> -> memref<4000xi32, #tpu.memory_space<hbm>>
    %dma_wait3A_24 = arith.constant 0 : i32
    %dma_wait3A_25 = tpu.memref_slice %arg12[%dma_wait3A_24] : memref<8000xi32, #tpu.memory_space<vmem>> -> memref<4000xi32, #tpu.memory_space<vmem>>
    %dma_wait3A_26 = tpu.memref_slice %arg3[%mul3A_15] : memref<2000000xi32, #tpu.memory_space<hbm>> -> memref<4000xi32, #tpu.memory_space<hbm>>
    tpu.wait_dma2 semaphore(%arg18 : memref<!tpu.dma_semaphore, #tpu.memory_space<semaphore_mem>>) src(%dma_wait3A_26 : memref<4000xi32, #tpu.memory_space<hbm>>) dst(%dma_wait3A_25 : memref<4000xi32, #tpu.memory_space<vmem>>)
    %dma_start3A_27 = arith.constant 0 : i32
    %dma_start3A_28 = tpu.memref_slice %arg13[%dma_start3A_27] : memref<8000xf32, #tpu.memory_space<vmem>> -> memref<4000xf32, #tpu.memory_space<vmem>>
    %dma_start3A_29 = arith.constant 0 : i32
    %dma_start3A_30 = tpu.memref_slice %arg12[%dma_start3A_29] : memref<8000xi32, #tpu.memory_space<vmem>> -> memref<4000xi32, #tpu.memory_space<vmem>>
    %dma_start3A_31 = arith.constant 0 : i32
    %dma_start3A_32 = tpu.memref_slice %arg5[%dma_start3A_31] : memref<500000xf32, #tpu.memory_space<hbm>> -> memref<500000xf32, #tpu.memory_space<hbm>>
    tpu.enqueue_indirect_dma source(%dma_start3A_32 : memref<500000xf32, #tpu.memory_space<hbm>>) target(%dma_start3A_28 : memref<4000xf32, #tpu.memory_space<vmem>>) offsets(%dma_start3A_30 : memref<4000xi32, #tpu.memory_space<vmem>>) semaphore(%arg19 : memref<!tpu.dma_semaphore, #tpu.memory_space<semaphore_mem>>)
    %dma_start3A_33 = arith.constant 0 : i32
    %dma_start3A_34 = tpu.memref_slice %arg14[%dma_start3A_33] : memref<8000xf32, #tpu.memory_space<vmem>> -> memref<4000xf32, #tpu.memory_space<vmem>>
    %dma_start3A_35 = arith.constant 0 : i32
    %dma_start3A_36 = tpu.memref_slice %arg12[%dma_start3A_35] : memref<8000xi32, #tpu.memory_space<vmem>> -> memref<4000xi32, #tpu.memory_space<vmem>>
    %dma_start3A_37 = arith.constant 0 : i32
    %dma_start3A_38 = tpu.memref_slice %arg6[%dma_start3A_37] : memref<500000xf32, #tpu.memory_space<hbm>> -> memref<500000xf32, #tpu.memory_space<hbm>>
    tpu.enqueue_indirect_dma source(%dma_start3A_38 : memref<500000xf32, #tpu.memory_space<hbm>>) target(%dma_start3A_34 : memref<4000xf32, #tpu.memory_space<vmem>>) offsets(%dma_start3A_36 : memref<4000xi32, #tpu.memory_space<vmem>>) semaphore(%arg19 : memref<!tpu.dma_semaphore, #tpu.memory_space<semaphore_mem>>)
    %dma_start3A_39 = arith.constant 0 : i32
    %dma_start3A_40 = tpu.memref_slice %arg15[%dma_start3A_39] : memref<8000xf32, #tpu.memory_space<vmem>> -> memref<4000xf32, #tpu.memory_space<vmem>>
    %dma_start3A_41 = arith.constant 0 : i32
    %dma_start3A_42 = tpu.memref_slice %arg12[%dma_start3A_41] : memref<8000xi32, #tpu.memory_space<vmem>> -> memref<4000xi32, #tpu.memory_space<vmem>>
    %dma_start3A_43 = arith.constant 0 : i32
    %dma_start3A_44 = tpu.memref_slice %arg7[%dma_start3A_43] : memref<500000xf32, #tpu.memory_space<hbm>> -> memref<500000xf32, #tpu.memory_space<hbm>>
    tpu.enqueue_indirect_dma source(%dma_start3A_44 : memref<500000xf32, #tpu.memory_space<hbm>>) target(%dma_start3A_40 : memref<4000xf32, #tpu.memory_space<vmem>>) offsets(%dma_start3A_42 : memref<4000xi32, #tpu.memory_space<vmem>>) semaphore(%arg19 : memref<!tpu.dma_semaphore, #tpu.memory_space<semaphore_mem>>)
    %scan3A = arith.constant 0 : i32
    %scan3A_45 = arith.constant 8 : i32
    %scan3A_46 = arith.addi %scan3A, %scan3A_45 : i32
    %scan3A_47 = arith.constant 1 : i32
    scf.for %scan3A_60 = %scan3A to %scan3A_46 step %scan3A_47  : i32 {
      %mul3A_61 = arith.constant 1 : i32
      %mul3A_62 = arith.muli %scan3A_60, %mul3A_61 : i32
      %add3A_63 = arith.constant 0 : i32
      %add3A_64 = arith.addi %add3A_63, %mul3A_62 : i32
      %mul3A_65 = arith.constant 2 : i32
      %mul3A_66 = arith.muli %mul3A_65, %add3A_64 : i32
      %mul3A_67 = arith.constant 32 : i32
      %mul3A_68 = arith.muli %mul3A_66, %mul3A_67 : i32
      %add3A_69 = arith.addi %add3A, %mul3A_68 : i32
      %add3A_70 = arith.constant 32 : i32
      %add3A_71 = arith.addi %add3A_69, %add3A_70 : i32
      %gt3A = arith.constant 0 : i32
      %gt3A_72 = arith.cmpi sgt, %add3A_64, %gt3A : i32
      %convert_element_type3A_73 = arith.extui %gt3A_72 : i1 to i32
      %cond3A_74 = arith.constant 0 : i32
      %cond3A_75 = arith.cmpi ne, %convert_element_type3A_73, %cond3A_74 : i32
      scf.if %cond3A_75 {
        %sub3A = arith.constant 64 : i32
        %sub3A_110 = arith.subi %add3A_69, %sub3A : i32
        %mul3A_111 = arith.constant 4000 : i32
        %mul3A_112 = arith.muli %sub3A_110, %mul3A_111 : i32
        %dma_wait3A_113 = arith.constant 0 : i32
        %dma_wait3A_114 = tpu.memref_slice %arg16[%dma_wait3A_113] : memref<8000xf32, #tpu.memory_space<vmem>> -> memref<4000xf32, #tpu.memory_space<vmem>>
        %dma_wait3A_115 = tpu.memref_slice %arg8[%mul3A_112] : memref<2000000xf32, #tpu.memory_space<hbm>> -> memref<4000xf32, #tpu.memory_space<hbm>>
        %dma_wait3A_116 = tpu.memref_slice %arg8[%mul3A_112] : memref<2000000xf32, #tpu.memory_space<hbm>> -> memref<4000xf32, #tpu.memory_space<hbm>>
        %dma_wait3A_117 = arith.constant 0 : i32
        %dma_wait3A_118 = tpu.memref_slice %arg16[%dma_wait3A_117] : memref<8000xf32, #tpu.memory_space<vmem>> -> memref<4000xf32, #tpu.memory_space<vmem>>
        tpu.wait_dma2 semaphore(%arg21 : memref<!tpu.dma_semaphore, #tpu.memory_space<semaphore_mem>>) src(%dma_wait3A_118 : memref<4000xf32, #tpu.memory_space<vmem>>) dst(%dma_wait3A_116 : memref<4000xf32, #tpu.memory_space<hbm>>)
        %dma_wait3A_119 = arith.constant 0 : i32
        %dma_wait3A_120 = tpu.memref_slice %arg17[%dma_wait3A_119] : memref<8000xf32, #tpu.memory_space<vmem>> -> memref<4000xf32, #tpu.memory_space<vmem>>
        %dma_wait3A_121 = tpu.memref_slice %arg9[%mul3A_112] : memref<2000000xf32, #tpu.memory_space<hbm>> -> memref<4000xf32, #tpu.memory_space<hbm>>
        %dma_wait3A_122 = tpu.memref_slice %arg9[%mul3A_112] : memref<2000000xf32, #tpu.memory_space<hbm>> -> memref<4000xf32, #tpu.memory_space<hbm>>
        %dma_wait3A_123 = arith.constant 0 : i32
        %dma_wait3A_124 = tpu.memref_slice %arg17[%dma_wait3A_123] : memref<8000xf32, #tpu.memory_space<vmem>> -> memref<4000xf32, #tpu.memory_space<vmem>>
        tpu.wait_dma2 semaphore(%arg21 : memref<!tpu.dma_semaphore, #tpu.memory_space<semaphore_mem>>) src(%dma_wait3A_124 : memref<4000xf32, #tpu.memory_space<vmem>>) dst(%dma_wait3A_122 : memref<4000xf32, #tpu.memory_space<hbm>>)
      } else {
      }
      %lt3A_76 = arith.constant 500 : i32
      %lt3A_77 = arith.cmpi slt, %add3A_71, %lt3A_76 : i32
      %convert_element_type3A_78 = arith.extui %lt3A_77 : i1 to i32
      %cond3A_79 = arith.constant 0 : i32
      %cond3A_80 = arith.cmpi ne, %convert_element_type3A_78, %cond3A_79 : i32
      scf.if %cond3A_80 {
        %mul3A_110 = arith.constant 4000 : i32
        %mul3A_111 = arith.muli %add3A_71, %mul3A_110 : i32
        %dma_start3A_112 = arith.constant 4000 : i32
        %dma_start3A_113 = tpu.memref_slice %arg11[%dma_start3A_112] : memref<8000xi32, #tpu.memory_space<vmem>> -> memref<4000xi32, #tpu.memory_space<vmem>>
        %dma_start3A_114 = tpu.memref_slice %arg2[%mul3A_111] : memref<2000000xi32, #tpu.memory_space<hbm>> -> memref<4000xi32, #tpu.memory_space<hbm>>
        %dma_start3A_115 = arith.constant 4000 : i32
        %dma_start3A_116 = tpu.memref_slice %arg11[%dma_start3A_115] : memref<8000xi32, #tpu.memory_space<vmem>> -> memref<4000xi32, #tpu.memory_space<vmem>>
        %dma_start3A_117 = tpu.memref_slice %arg2[%mul3A_111] : memref<2000000xi32, #tpu.memory_space<hbm>> -> memref<4000xi32, #tpu.memory_space<hbm>>
        tpu.enqueue_dma source(%dma_start3A_117 : memref<4000xi32, #tpu.memory_space<hbm>>) target(%dma_start3A_116 : memref<4000xi32, #tpu.memory_space<vmem>>) target_semaphore(%arg18 : memref<!tpu.dma_semaphore, #tpu.memory_space<semaphore_mem>>)
        %dma_start3A_118 = arith.constant 4000 : i32
        %dma_start3A_119 = tpu.memref_slice %arg12[%dma_start3A_118] : memref<8000xi32, #tpu.memory_space<vmem>> -> memref<4000xi32, #tpu.memory_space<vmem>>
        %dma_start3A_120 = tpu.memref_slice %arg3[%mul3A_111] : memref<2000000xi32, #tpu.memory_space<hbm>> -> memref<4000xi32, #tpu.memory_space<hbm>>
        %dma_start3A_121 = arith.constant 4000 : i32
        %dma_start3A_122 = tpu.memref_slice %arg12[%dma_start3A_121] : memref<8000xi32, #tpu.memory_space<vmem>> -> memref<4000xi32, #tpu.memory_space<vmem>>
        %dma_start3A_123 = tpu.memref_slice %arg3[%mul3A_111] : memref<2000000xi32, #tpu.memory_space<hbm>> -> memref<4000xi32, #tpu.memory_space<hbm>>
        tpu.enqueue_dma source(%dma_start3A_123 : memref<4000xi32, #tpu.memory_space<hbm>>) target(%dma_start3A_122 : memref<4000xi32, #tpu.memory_space<vmem>>) target_semaphore(%arg18 : memref<!tpu.dma_semaphore, #tpu.memory_space<semaphore_mem>>)
        %mul3A_124 = arith.constant 4000 : i32
        %mul3A_125 = arith.muli %add3A_71, %mul3A_124 : i32
        %dma_wait3A_126 = arith.constant 4000 : i32
        %dma_wait3A_127 = tpu.memref_slice %arg11[%dma_wait3A_126] : memref<8000xi32, #tpu.memory_space<vmem>> -> memref<4000xi32, #tpu.memory_space<vmem>>
        %dma_wait3A_128 = tpu.memref_slice %arg2[%mul3A_125] : memref<2000000xi32, #tpu.memory_space<hbm>> -> memref<4000xi32, #tpu.memory_space<hbm>>
        %dma_wait3A_129 = arith.constant 4000 : i32
        %dma_wait3A_130 = tpu.memref_slice %arg11[%dma_wait3A_129] : memref<8000xi32, #tpu.memory_space<vmem>> -> memref<4000xi32, #tpu.memory_space<vmem>>
        %dma_wait3A_131 = tpu.memref_slice %arg2[%mul3A_125] : memref<2000000xi32, #tpu.memory_space<hbm>> -> memref<4000xi32, #tpu.memory_space<hbm>>
        tpu.wait_dma2 semaphore(%arg18 : memref<!tpu.dma_semaphore, #tpu.memory_space<semaphore_mem>>) src(%dma_wait3A_131 : memref<4000xi32, #tpu.memory_space<hbm>>) dst(%dma_wait3A_130 : memref<4000xi32, #tpu.memory_space<vmem>>)
        %dma_wait3A_132 = arith.constant 4000 : i32
        %dma_wait3A_133 = tpu.memref_slice %arg12[%dma_wait3A_132] : memref<8000xi32, #tpu.memory_space<vmem>> -> memref<4000xi32, #tpu.memory_space<vmem>>
        %dma_wait3A_134 = tpu.memref_slice %arg3[%mul3A_125] : memref<2000000xi32, #tpu.memory_space<hbm>> -> memref<4000xi32, #tpu.memory_space<hbm>>
        %dma_wait3A_135 = arith.constant 4000 : i32
        %dma_wait3A_136 = tpu.memref_slice %arg12[%dma_wait3A_135] : memref<8000xi32, #tpu.memory_space<vmem>> -> memref<4000xi32, #tpu.memory_space<vmem>>
        %dma_wait3A_137 = tpu.memref_slice %arg3[%mul3A_125] : memref<2000000xi32, #tpu.memory_space<hbm>> -> memref<4000xi32, #tpu.memory_space<hbm>>
        tpu.wait_dma2 semaphore(%arg18 : memref<!tpu.dma_semaphore, #tpu.memory_space<semaphore_mem>>) src(%dma_wait3A_137 : memref<4000xi32, #tpu.memory_space<hbm>>) dst(%dma_wait3A_136 : memref<4000xi32, #tpu.memory_space<vmem>>)
        %dma_start3A_138 = arith.constant 4000 : i32
        %dma_start3A_139 = tpu.memref_slice %arg13[%dma_start3A_138] : memref<8000xf32, #tpu.memory_space<vmem>> -> memref<4000xf32, #tpu.memory_space<vmem>>
        %dma_start3A_140 = arith.constant 4000 : i32
        %dma_start3A_141 = tpu.memref_slice %arg12[%dma_start3A_140] : memref<8000xi32, #tpu.memory_space<vmem>> -> memref<4000xi32, #tpu.memory_space<vmem>>
        %dma_start3A_142 = arith.constant 0 : i32
        %dma_start3A_143 = tpu.memref_slice %arg5[%dma_start3A_142] : memref<500000xf32, #tpu.memory_space<hbm>> -> memref<500000xf32, #tpu.memory_space<hbm>>
        tpu.enqueue_indirect_dma source(%dma_start3A_143 : memref<500000xf32, #tpu.memory_space<hbm>>) target(%dma_start3A_139 : memref<4000xf32, #tpu.memory_space<vmem>>) offsets(%dma_start3A_141 : memref<4000xi32, #tpu.memory_space<vmem>>) semaphore(%arg20 : memref<!tpu.dma_semaphore, #tpu.memory_space<semaphore_mem>>)
        %dma_start3A_144 = arith.constant 4000 : i32
        %dma_start3A_145 = tpu.memref_slice %arg14[%dma_start3A_144] : memref<8000xf32, #tpu.memory_space<vmem>> -> memref<4000xf32, #tpu.memory_space<vmem>>
        %dma_start3A_146 = arith.constant 4000 : i32
        %dma_start3A_147 = tpu.memref_slice %arg12[%dma_start3A_146] : memref<8000xi32, #tpu.memory_space<vmem>> -> memref<4000xi32, #tpu.memory_space<vmem>>
        %dma_start3A_148 = arith.constant 0 : i32
        %dma_start3A_149 = tpu.memref_slice %arg6[%dma_start3A_148] : memref<500000xf32, #tpu.memory_space<hbm>> -> memref<500000xf32, #tpu.memory_space<hbm>>
        tpu.enqueue_indirect_dma source(%dma_start3A_149 : memref<500000xf32, #tpu.memory_space<hbm>>) target(%dma_start3A_145 : memref<4000xf32, #tpu.memory_space<vmem>>) offsets(%dma_start3A_147 : memref<4000xi32, #tpu.memory_space<vmem>>) semaphore(%arg20 : memref<!tpu.dma_semaphore, #tpu.memory_space<semaphore_mem>>)
        %dma_start3A_150 = arith.constant 4000 : i32
        %dma_start3A_151 = tpu.memref_slice %arg15[%dma_start3A_150] : memref<8000xf32, #tpu.memory_space<vmem>> -> memref<4000xf32, #tpu.memory_space<vmem>>
        %dma_start3A_152 = arith.constant 4000 : i32
        %dma_start3A_153 = tpu.memref_slice %arg12[%dma_start3A_152] : memref<8000xi32, #tpu.memory_space<vmem>> -> memref<4000xi32, #tpu.memory_space<vmem>>
        %dma_start3A_154 = arith.constant 0 : i32
        %dma_start3A_155 = tpu.memref_slice %arg7[%dma_start3A_154] : memref<500000xf32, #tpu.memory_space<hbm>> -> memref<500000xf32, #tpu.memory_space<hbm>>
        tpu.enqueue_indirect_dma source(%dma_start3A_155 : memref<500000xf32, #tpu.memory_space<hbm>>) target(%dma_start3A_151 : memref<4000xf32, #tpu.memory_space<vmem>>) offsets(%dma_start3A_153 : memref<4000xi32, #tpu.memory_space<vmem>>) semaphore(%arg20 : memref<!tpu.dma_semaphore, #tpu.memory_space<semaphore_mem>>)
      } else {
      }
      %lt3A_81 = arith.constant 500 : i32
      %lt3A_82 = arith.cmpi slt, %add3A_69, %lt3A_81 : i32
      %convert_element_type3A_83 = arith.extui %lt3A_82 : i1 to i32
      %cond3A_84 = arith.constant 0 : i32
      %cond3A_85 = arith.cmpi ne, %convert_element_type3A_83, %cond3A_84 : i32
      scf.if %cond3A_85 {
        %dma_wait3A_110 = arith.constant 0 : i32
        %dma_wait3A_111 = tpu.memref_slice %arg13[%dma_wait3A_110] : memref<8000xf32, #tpu.memory_space<vmem>> -> memref<4000xf32, #tpu.memory_space<vmem>>
        %dma_wait3A_112 = arith.constant 0 : i32
        %dma_wait3A_113 = tpu.memref_slice %arg12[%dma_wait3A_112] : memref<8000xi32, #tpu.memory_space<vmem>> -> memref<4000xi32, #tpu.memory_space<vmem>>
        %dma_wait3A_114 = arith.constant 0 : i32
        %dma_wait3A_115 = tpu.memref_slice %arg5[%dma_wait3A_114] : memref<500000xf32, #tpu.memory_space<hbm>> -> memref<500000xf32, #tpu.memory_space<hbm>>
        tpu.wait_indirect_dma semaphore(%arg19 : memref<!tpu.dma_semaphore, #tpu.memory_space<semaphore_mem>>) src(%dma_wait3A_115 : memref<500000xf32, #tpu.memory_space<hbm>>) dst(%dma_wait3A_111 : memref<4000xf32, #tpu.memory_space<vmem>>)
        %dma_wait3A_116 = arith.constant 0 : i32
        %dma_wait3A_117 = tpu.memref_slice %arg14[%dma_wait3A_116] : memref<8000xf32, #tpu.memory_space<vmem>> -> memref<4000xf32, #tpu.memory_space<vmem>>
        %dma_wait3A_118 = arith.constant 0 : i32
        %dma_wait3A_119 = tpu.memref_slice %arg12[%dma_wait3A_118] : memref<8000xi32, #tpu.memory_space<vmem>> -> memref<4000xi32, #tpu.memory_space<vmem>>
        %dma_wait3A_120 = arith.constant 0 : i32
        %dma_wait3A_121 = tpu.memref_slice %arg6[%dma_wait3A_120] : memref<500000xf32, #tpu.memory_space<hbm>> -> memref<500000xf32, #tpu.memory_space<hbm>>
        tpu.wait_indirect_dma semaphore(%arg19 : memref<!tpu.dma_semaphore, #tpu.memory_space<semaphore_mem>>) src(%dma_wait3A_121 : memref<500000xf32, #tpu.memory_space<hbm>>) dst(%dma_wait3A_117 : memref<4000xf32, #tpu.memory_space<vmem>>)
        %dma_wait3A_122 = arith.constant 0 : i32
        %dma_wait3A_123 = tpu.memref_slice %arg15[%dma_wait3A_122] : memref<8000xf32, #tpu.memory_space<vmem>> -> memref<4000xf32, #tpu.memory_space<vmem>>
        %dma_wait3A_124 = arith.constant 0 : i32
        %dma_wait3A_125 = tpu.memref_slice %arg12[%dma_wait3A_124] : memref<8000xi32, #tpu.memory_space<vmem>> -> memref<4000xi32, #tpu.memory_space<vmem>>
        %dma_wait3A_126 = arith.constant 0 : i32
        %dma_wait3A_127 = tpu.memref_slice %arg7[%dma_wait3A_126] : memref<500000xf32, #tpu.memory_space<hbm>> -> memref<500000xf32, #tpu.memory_space<hbm>>
        tpu.wait_indirect_dma semaphore(%arg19 : memref<!tpu.dma_semaphore, #tpu.memory_space<semaphore_mem>>) src(%dma_wait3A_127 : memref<500000xf32, #tpu.memory_space<hbm>>) dst(%dma_wait3A_123 : memref<4000xf32, #tpu.memory_space<vmem>>)
        %scan3A_128 = arith.constant 0 : i32
        %scan3A_129 = arith.constant 248 : i32
        %scan3A_130 = arith.addi %scan3A_128, %scan3A_129 : i32
        %scan3A_131 = arith.constant 4 : i32
        scf.for %scan3A_185 = %scan3A_128 to %scan3A_130 step %scan3A_131  : i32 {
          %mul3A_186 = arith.constant 1 : i32
          %mul3A_187 = arith.muli %scan3A_185, %mul3A_186 : i32
          %add3A_188 = arith.constant 0 : i32
          %add3A_189 = arith.addi %add3A_188, %mul3A_187 : i32
          %mul3A_190 = arith.constant 16 : i32
          %mul3A_191 = arith.muli %add3A_189, %mul3A_190 : i32
          %add3A_192 = arith.constant 0 : i32
          %add3A_193 = arith.addi %add3A_192, %mul3A_191 : i32
          %get3A_194 = arith.index_cast %add3A_193 : i32 to index
          %get3A_195 = tpu.vector_load %arg13[%get3A_194] {strides = array<i32>} : memref<8000xf32, #tpu.memory_space<vmem>>, vector<16xf32>,
          %swap3A_196 = arith.index_cast %add3A_193 : i32 to index
          %swap3A_197 = tpu.vector_load %arg16[%swap3A_196] {strides = array<i32>} : memref<8000xf32, #tpu.memory_space<vmem>>, vector<16xf32>,
          tpu.vector_store %arg16[%swap3A_196], %get3A_195 {strides = array<i32>} : memref<8000xf32, #tpu.memory_space<vmem>>, vector<16xf32>,
          %get3A_198 = arith.index_cast %add3A_193 : i32 to index
          %get3A_199 = tpu.vector_load %arg14[%get3A_198] {strides = array<i32>} : memref<8000xf32, #tpu.memory_space<vmem>>, vector<16xf32>,
          %swap3A_200 = arith.index_cast %add3A_193 : i32 to index
          %swap3A_201 = tpu.vector_load %arg17[%swap3A_200] {strides = array<i32>} : memref<8000xf32, #tpu.memory_space<vmem>>, vector<16xf32>,
          tpu.vector_store %arg17[%swap3A_200], %get3A_199 {strides = array<i32>} : memref<8000xf32, #tpu.memory_space<vmem>>, vector<16xf32>,
          %scan3A_202 = arith.constant 1 : i32
          %scan3A_203 = arith.addi %scan3A_185, %scan3A_202 : i32
          %mul3A_204 = arith.constant 1 : i32
          %mul3A_205 = arith.muli %scan3A_203, %mul3A_204 : i32
          %add3A_206 = arith.constant 0 : i32
          %add3A_207 = arith.addi %add3A_206, %mul3A_205 : i32
          %mul3A_208 = arith.constant 16 : i32
          %mul3A_209 = arith.muli %add3A_207, %mul3A_208 : i32
          %add3A_210 = arith.constant 0 : i32
          %add3A_211 = arith.addi %add3A_210, %mul3A_209 : i32
          %get3A_212 = arith.index_cast %add3A_211 : i32 to index
          %get3A_213 = tpu.vector_load %arg13[%get3A_212] {strides = array<i32>} : memref<8000xf32, #tpu.memory_space<vmem>>, vector<16xf32>,
          %swap3A_214 = arith.index_cast %add3A_211 : i32 to index
          %swap3A_215 = tpu.vector_load %arg16[%swap3A_214] {strides = array<i32>} : memref<8000xf32, #tpu.memory_space<vmem>>, vector<16xf32>,
          tpu.vector_store %arg16[%swap3A_214], %get3A_213 {strides = array<i32>} : memref<8000xf32, #tpu.memory_space<vmem>>, vector<16xf32>,
          %get3A_216 = arith.index_cast %add3A_211 : i32 to index
          %get3A_217 = tpu.vector_load %arg14[%get3A_216] {strides = array<i32>} : memref<8000xf32, #tpu.memory_space<vmem>>, vector<16xf32>,
          %swap3A_218 = arith.index_cast %add3A_211 : i32 to index
          %swap3A_219 = tpu.vector_load %arg17[%swap3A_218] {strides = array<i32>} : memref<8000xf32, #tpu.memory_space<vmem>>, vector<16xf32>,
          tpu.vector_store %arg17[%swap3A_218], %get3A_217 {strides = array<i32>} : memref<8000xf32, #tpu.memory_space<vmem>>, vector<16xf32>,
          %scan3A_220 = arith.constant 2 : i32
          %scan3A_221 = arith.addi %scan3A_185, %scan3A_220 : i32
          %mul3A_222 = arith.constant 1 : i32
          %mul3A_223 = arith.muli %scan3A_221, %mul3A_222 : i32
          %add3A_224 = arith.constant 0 : i32
          %add3A_225 = arith.addi %add3A_224, %mul3A_223 : i32
          %mul3A_226 = arith.constant 16 : i32
          %mul3A_227 = arith.muli %add3A_225, %mul3A_226 : i32
          %add3A_228 = arith.constant 0 : i32
          %add3A_229 = arith.addi %add3A_228, %mul3A_227 : i32
          %get3A_230 = arith.index_cast %add3A_229 : i32 to index
          %get3A_231 = tpu.vector_load %arg13[%get3A_230] {strides = array<i32>} : memref<8000xf32, #tpu.memory_space<vmem>>, vector<16xf32>,
          %swap3A_232 = arith.index_cast %add3A_229 : i32 to index
          %swap3A_233 = tpu.vector_load %arg16[%swap3A_232] {strides = array<i32>} : memref<8000xf32, #tpu.memory_space<vmem>>, vector<16xf32>,
          tpu.vector_store %arg16[%swap3A_232], %get3A_231 {strides = array<i32>} : memref<8000xf32, #tpu.memory_space<vmem>>, vector<16xf32>,
          %get3A_234 = arith.index_cast %add3A_229 : i32 to index
          %get3A_235 = tpu.vector_load %arg14[%get3A_234] {strides = array<i32>} : memref<8000xf32, #tpu.memory_space<vmem>>, vector<16xf32>,
          %swap3A_236 = arith.index_cast %add3A_229 : i32 to index
          %swap3A_237 = tpu.vector_load %arg17[%swap3A_236] {strides = array<i32>} : memref<8000xf32, #tpu.memory_space<vmem>>, vector<16xf32>,
          tpu.vector_store %arg17[%swap3A_236], %get3A_235 {strides = array<i32>} : memref<8000xf32, #tpu.memory_space<vmem>>, vector<16xf32>,
          %scan3A_238 = arith.constant 3 : i32
          %scan3A_239 = arith.addi %scan3A_185, %scan3A_238 : i32
          %mul3A_240 = arith.constant 1 : i32
          %mul3A_241 = arith.muli %scan3A_239, %mul3A_240 : i32
          %add3A_242 = arith.constant 0 : i32
          %add3A_243 = arith.addi %add3A_242, %mul3A_241 : i32
          %mul3A_244 = arith.constant 16 : i32
          %mul3A_245 = arith.muli %add3A_243, %mul3A_244 : i32
          %add3A_246 = arith.constant 0 : i32
          %add3A_247 = arith.addi %add3A_246, %mul3A_245 : i32
          %get3A_248 = arith.index_cast %add3A_247 : i32 to index
          %get3A_249 = tpu.vector_load %arg13[%get3A_248] {strides = array<i32>} : memref<8000xf32, #tpu.memory_space<vmem>>, vector<16xf32>,
          %swap3A_250 = arith.index_cast %add3A_247 : i32 to index
          %swap3A_251 = tpu.vector_load %arg16[%swap3A_250] {strides = array<i32>} : memref<8000xf32, #tpu.memory_space<vmem>>, vector<16xf32>,
          tpu.vector_store %arg16[%swap3A_250], %get3A_249 {strides = array<i32>} : memref<8000xf32, #tpu.memory_space<vmem>>, vector<16xf32>,
          %get3A_252 = arith.index_cast %add3A_247 : i32 to index
          %get3A_253 = tpu.vector_load %arg14[%get3A_252] {strides = array<i32>} : memref<8000xf32, #tpu.memory_space<vmem>>, vector<16xf32>,
          %swap3A_254 = arith.index_cast %add3A_247 : i32 to index
          %swap3A_255 = tpu.vector_load %arg17[%swap3A_254] {strides = array<i32>} : memref<8000xf32, #tpu.memory_space<vmem>>, vector<16xf32>,
          tpu.vector_store %arg17[%swap3A_254], %get3A_253 {strides = array<i32>} : memref<8000xf32, #tpu.memory_space<vmem>>, vector<16xf32>,
        }
        %scan3A_132 = arith.constant 248 : i32
        %scan3A_133 = arith.addi %scan3A_128, %scan3A_132 : i32
        %mul3A_134 = arith.constant 1 : i32
        %mul3A_135 = arith.muli %scan3A_133, %mul3A_134 : i32
        %add3A_136 = arith.constant 0 : i32
        %add3A_137 = arith.addi %add3A_136, %mul3A_135 : i32
        %mul3A_138 = arith.constant 16 : i32
        %mul3A_139 = arith.muli %add3A_137, %mul3A_138 : i32
        %add3A_140 = arith.constant 0 : i32
        %add3A_141 = arith.addi %add3A_140, %mul3A_139 : i32
        %get3A = arith.index_cast %add3A_141 : i32 to index
        %get3A_142 = tpu.vector_load %arg13[%get3A] {strides = array<i32>} : memref<8000xf32, #tpu.memory_space<vmem>>, vector<16xf32>,
        %swap3A = arith.index_cast %add3A_141 : i32 to index
        %swap3A_143 = tpu.vector_load %arg16[%swap3A] {strides = array<i32>} : memref<8000xf32, #tpu.memory_space<vmem>>, vector<16xf32>,
        tpu.vector_store %arg16[%swap3A], %get3A_142 {strides = array<i32>} : memref<8000xf32, #tpu.memory_space<vmem>>, vector<16xf32>,
        %get3A_144 = arith.index_cast %add3A_141 : i32 to index
        %get3A_145 = tpu.vector_load %arg14[%get3A_144] {strides = array<i32>} : memref<8000xf32, #tpu.memory_space<vmem>>, vector<16xf32>,
        %swap3A_146 = arith.index_cast %add3A_141 : i32 to index
        %swap3A_147 = tpu.vector_load %arg17[%swap3A_146] {strides = array<i32>} : memref<8000xf32, #tpu.memory_space<vmem>>, vector<16xf32>,
        tpu.vector_store %arg17[%swap3A_146], %get3A_145 {strides = array<i32>} : memref<8000xf32, #tpu.memory_space<vmem>>, vector<16xf32>,
        %scan3A_148 = arith.constant 249 : i32
        %scan3A_149 = arith.addi %scan3A_128, %scan3A_148 : i32
        %mul3A_150 = arith.constant 1 : i32
        %mul3A_151 = arith.muli %scan3A_149, %mul3A_150 : i32
        %add3A_152 = arith.constant 0 : i32
        %add3A_153 = arith.addi %add3A_152, %mul3A_151 : i32
        %mul3A_154 = arith.constant 16 : i32
        %mul3A_155 = arith.muli %add3A_153, %mul3A_154 : i32
        %add3A_156 = arith.constant 0 : i32
        %add3A_157 = arith.addi %add3A_156, %mul3A_155 : i32
        %get3A_158 = arith.index_cast %add3A_157 : i32 to index
        %get3A_159 = tpu.vector_load %arg13[%get3A_158] {strides = array<i32>} : memref<8000xf32, #tpu.memory_space<vmem>>, vector<16xf32>,
        %swap3A_160 = arith.index_cast %add3A_157 : i32 to index
        %swap3A_161 = tpu.vector_load %arg16[%swap3A_160] {strides = array<i32>} : memref<8000xf32, #tpu.memory_space<vmem>>, vector<16xf32>,
        tpu.vector_store %arg16[%swap3A_160], %get3A_159 {strides = array<i32>} : memref<8000xf32, #tpu.memory_space<vmem>>, vector<16xf32>,
        %get3A_162 = arith.index_cast %add3A_157 : i32 to index
        %get3A_163 = tpu.vector_load %arg14[%get3A_162] {strides = array<i32>} : memref<8000xf32, #tpu.memory_space<vmem>>, vector<16xf32>,
        %swap3A_164 = arith.index_cast %add3A_157 : i32 to index
        %swap3A_165 = tpu.vector_load %arg17[%swap3A_164] {strides = array<i32>} : memref<8000xf32, #tpu.memory_space<vmem>>, vector<16xf32>,
        tpu.vector_store %arg17[%swap3A_164], %get3A_163 {strides = array<i32>} : memref<8000xf32, #tpu.memory_space<vmem>>, vector<16xf32>,
        %scan3A_166 = arith.constant 250 : i32
        %scan3A_167 = arith.constant 0 : i32
        %scan3A_168 = arith.constant 0 : i32
        %scan3A_169 = arith.addi %scan3A_167, %scan3A_168 : i32
        %scan3A_170 = arith.constant 0 : i32
        %mul3A_171 = arith.constant 4000 : i32
        %mul3A_172 = arith.muli %add3A_69, %mul3A_171 : i32
        %dma_start3A_173 = arith.constant 0 : i32
        %dma_start3A_174 = tpu.memref_slice %arg16[%dma_start3A_173] : memref<8000xf32, #tpu.memory_space<vmem>> -> memref<4000xf32, #tpu.memory_space<vmem>>
        %dma_start3A_175 = tpu.memref_slice %arg8[%mul3A_172] : memref<2000000xf32, #tpu.memory_space<hbm>> -> memref<4000xf32, #tpu.memory_space<hbm>>
        %dma_start3A_176 = tpu.memref_slice %arg8[%mul3A_172] : memref<2000000xf32, #tpu.memory_space<hbm>> -> memref<4000xf32, #tpu.memory_space<hbm>>
        %dma_start3A_177 = arith.constant 0 : i32
        %dma_start3A_178 = tpu.memref_slice %arg16[%dma_start3A_177] : memref<8000xf32, #tpu.memory_space<vmem>> -> memref<4000xf32, #tpu.memory_space<vmem>>
        tpu.enqueue_dma source(%dma_start3A_178 : memref<4000xf32, #tpu.memory_space<vmem>>) target(%dma_start3A_176 : memref<4000xf32, #tpu.memory_space<hbm>>) target_semaphore(%arg21 : memref<!tpu.dma_semaphore, #tpu.memory_space<semaphore_mem>>)
        %dma_start3A_179 = arith.constant 0 : i32
        %dma_start3A_180 = tpu.memref_slice %arg17[%dma_start3A_179] : memref<8000xf32, #tpu.memory_space<vmem>> -> memref<4000xf32, #tpu.memory_space<vmem>>
        %dma_start3A_181 = tpu.memref_slice %arg9[%mul3A_172] : memref<2000000xf32, #tpu.memory_space<hbm>> -> memref<4000xf32, #tpu.memory_space<hbm>>
        %dma_start3A_182 = tpu.memref_slice %arg9[%mul3A_172] : memref<2000000xf32, #tpu.memory_space<hbm>> -> memref<4000xf32, #tpu.memory_space<hbm>>
        %dma_start3A_183 = arith.constant 0 : i32
        %dma_start3A_184 = tpu.memref_slice %arg17[%dma_start3A_183] : memref<8000xf32, #tpu.memory_space<vmem>> -> memref<4000xf32, #tpu.memory_space<vmem>>
        tpu.enqueue_dma source(%dma_start3A_184 : memref<4000xf32, #tpu.memory_space<vmem>>) target(%dma_start3A_182 : memref<4000xf32, #tpu.memory_space<hbm>>) target_semaphore(%arg21 : memref<!tpu.dma_semaphore, #tpu.memory_space<semaphore_mem>>)
      } else {
      }
      %mul3A_86 = arith.constant 2 : i32
      %mul3A_87 = arith.muli %mul3A_86, %add3A_64 : i32
      %add3A_88 = arith.constant 1 : i32
      %add3A_89 = arith.addi %mul3A_87, %add3A_88 : i32
      %mul3A_90 = arith.constant 32 : i32
      %mul3A_91 = arith.muli %add3A_89, %mul3A_90 : i32
      %add3A_92 = arith.addi %add3A, %mul3A_91 : i32
      %add3A_93 = arith.constant 32 : i32
      %add3A_94 = arith.addi %add3A_92, %add3A_93 : i32
      %gt3A_95 = arith.constant 0 : i32
      %gt3A_96 = arith.cmpi sgt, %add3A_64, %gt3A_95 : i32
      %convert_element_type3A_97 = arith.extui %gt3A_96 : i1 to i32
      %cond3A_98 = arith.constant 0 : i32
      %cond3A_99 = arith.cmpi ne, %convert_element_type3A_97, %cond3A_98 : i32
      scf.if %cond3A_99 {
        %sub3A = arith.constant 64 : i32
        %sub3A_110 = arith.subi %add3A_92, %sub3A : i32
        %mul3A_111 = arith.constant 4000 : i32
        %mul3A_112 = arith.muli %sub3A_110, %mul3A_111 : i32
        %dma_wait3A_113 = arith.constant 4000 : i32
        %dma_wait3A_114 = tpu.memref_slice %arg16[%dma_wait3A_113] : memref<8000xf32, #tpu.memory_space<vmem>> -> memref<4000xf32, #tpu.memory_space<vmem>>
        %dma_wait3A_115 = tpu.memref_slice %arg8[%mul3A_112] : memref<2000000xf32, #tpu.memory_space<hbm>> -> memref<4000xf32, #tpu.memory_space<hbm>>
        %dma_wait3A_116 = tpu.memref_slice %arg8[%mul3A_112] : memref<2000000xf32, #tpu.memory_space<hbm>> -> memref<4000xf32, #tpu.memory_space<hbm>>
        %dma_wait3A_117 = arith.constant 4000 : i32
        %dma_wait3A_118 = tpu.memref_slice %arg16[%dma_wait3A_117] : memref<8000xf32, #tpu.memory_space<vmem>> -> memref<4000xf32, #tpu.memory_space<vmem>>
        tpu.wait_dma2 semaphore(%arg22 : memref<!tpu.dma_semaphore, #tpu.memory_space<semaphore_mem>>) src(%dma_wait3A_118 : memref<4000xf32, #tpu.memory_space<vmem>>) dst(%dma_wait3A_116 : memref<4000xf32, #tpu.memory_space<hbm>>)
        %dma_wait3A_119 = arith.constant 4000 : i32
        %dma_wait3A_120 = tpu.memref_slice %arg17[%dma_wait3A_119] : memref<8000xf32, #tpu.memory_space<vmem>> -> memref<4000xf32, #tpu.memory_space<vmem>>
        %dma_wait3A_121 = tpu.memref_slice %arg9[%mul3A_112] : memref<2000000xf32, #tpu.memory_space<hbm>> -> memref<4000xf32, #tpu.memory_space<hbm>>
        %dma_wait3A_122 = tpu.memref_slice %arg9[%mul3A_112] : memref<2000000xf32, #tpu.memory_space<hbm>> -> memref<4000xf32, #tpu.memory_space<hbm>>
        %dma_wait3A_123 = arith.constant 4000 : i32
        %dma_wait3A_124 = tpu.memref_slice %arg17[%dma_wait3A_123] : memref<8000xf32, #tpu.memory_space<vmem>> -> memref<4000xf32, #tpu.memory_space<vmem>>
        tpu.wait_dma2 semaphore(%arg22 : memref<!tpu.dma_semaphore, #tpu.memory_space<semaphore_mem>>) src(%dma_wait3A_124 : memref<4000xf32, #tpu.memory_space<vmem>>) dst(%dma_wait3A_122 : memref<4000xf32, #tpu.memory_space<hbm>>)
      } else {
      }
      %lt3A_100 = arith.constant 500 : i32
      %lt3A_101 = arith.cmpi slt, %add3A_94, %lt3A_100 : i32
      %convert_element_type3A_102 = arith.extui %lt3A_101 : i1 to i32
      %cond3A_103 = arith.constant 0 : i32
      %cond3A_104 = arith.cmpi ne, %convert_element_type3A_102, %cond3A_103 : i32
      scf.if %cond3A_104 {
        %mul3A_110 = arith.constant 4000 : i32
        %mul3A_111 = arith.muli %add3A_94, %mul3A_110 : i32
        %dma_start3A_112 = arith.constant 0 : i32
        %dma_start3A_113 = tpu.memref_slice %arg11[%dma_start3A_112] : memref<8000xi32, #tpu.memory_space<vmem>> -> memref<4000xi32, #tpu.memory_space<vmem>>
        %dma_start3A_114 = tpu.memref_slice %arg2[%mul3A_111] : memref<2000000xi32, #tpu.memory_space<hbm>> -> memref<4000xi32, #tpu.memory_space<hbm>>
        %dma_start3A_115 = arith.constant 0 : i32
        %dma_start3A_116 = tpu.memref_slice %arg11[%dma_start3A_115] : memref<8000xi32, #tpu.memory_space<vmem>> -> memref<4000xi32, #tpu.memory_space<vmem>>
        %dma_start3A_117 = tpu.memref_slice %arg2[%mul3A_111] : memref<2000000xi32, #tpu.memory_space<hbm>> -> memref<4000xi32, #tpu.memory_space<hbm>>
        tpu.enqueue_dma source(%dma_start3A_117 : memref<4000xi32, #tpu.memory_space<hbm>>) target(%dma_start3A_116 : memref<4000xi32, #tpu.memory_space<vmem>>) target_semaphore(%arg18 : memref<!tpu.dma_semaphore, #tpu.memory_space<semaphore_mem>>)
        %dma_start3A_118 = arith.constant 0 : i32
        %dma_start3A_119 = tpu.memref_slice %arg12[%dma_start3A_118] : memref<8000xi32, #tpu.memory_space<vmem>> -> memref<4000xi32, #tpu.memory_space<vmem>>
        %dma_start3A_120 = tpu.memref_slice %arg3[%mul3A_111] : memref<2000000xi32, #tpu.memory_space<hbm>> -> memref<4000xi32, #tpu.memory_space<hbm>>
        %dma_start3A_121 = arith.constant 0 : i32
        %dma_start3A_122 = tpu.memref_slice %arg12[%dma_start3A_121] : memref<8000xi32, #tpu.memory_space<vmem>> -> memref<4000xi32, #tpu.memory_space<vmem>>
        %dma_start3A_123 = tpu.memref_slice %arg3[%mul3A_111] : memref<2000000xi32, #tpu.memory_space<hbm>> -> memref<4000xi32, #tpu.memory_space<hbm>>
        tpu.enqueue_dma source(%dma_start3A_123 : memref<4000xi32, #tpu.memory_space<hbm>>) target(%dma_start3A_122 : memref<4000xi32, #tpu.memory_space<vmem>>) target_semaphore(%arg18 : memref<!tpu.dma_semaphore, #tpu.memory_space<semaphore_mem>>)
        %mul3A_124 = arith.constant 4000 : i32
        %mul3A_125 = arith.muli %add3A_94, %mul3A_124 : i32
        %dma_wait3A_126 = arith.constant 0 : i32
        %dma_wait3A_127 = tpu.memref_slice %arg11[%dma_wait3A_126] : memref<8000xi32, #tpu.memory_space<vmem>> -> memref<4000xi32, #tpu.memory_space<vmem>>
        %dma_wait3A_128 = tpu.memref_slice %arg2[%mul3A_125] : memref<2000000xi32, #tpu.memory_space<hbm>> -> memref<4000xi32, #tpu.memory_space<hbm>>
        %dma_wait3A_129 = arith.constant 0 : i32
        %dma_wait3A_130 = tpu.memref_slice %arg11[%dma_wait3A_129] : memref<8000xi32, #tpu.memory_space<vmem>> -> memref<4000xi32, #tpu.memory_space<vmem>>
        %dma_wait3A_131 = tpu.memref_slice %arg2[%mul3A_125] : memref<2000000xi32, #tpu.memory_space<hbm>> -> memref<4000xi32, #tpu.memory_space<hbm>>
        tpu.wait_dma2 semaphore(%arg18 : memref<!tpu.dma_semaphore, #tpu.memory_space<semaphore_mem>>) src(%dma_wait3A_131 : memref<4000xi32, #tpu.memory_space<hbm>>) dst(%dma_wait3A_130 : memref<4000xi32, #tpu.memory_space<vmem>>)
        %dma_wait3A_132 = arith.constant 0 : i32
        %dma_wait3A_133 = tpu.memref_slice %arg12[%dma_wait3A_132] : memref<8000xi32, #tpu.memory_space<vmem>> -> memref<4000xi32, #tpu.memory_space<vmem>>
        %dma_wait3A_134 = tpu.memref_slice %arg3[%mul3A_125] : memref<2000000xi32, #tpu.memory_space<hbm>> -> memref<4000xi32, #tpu.memory_space<hbm>>
        %dma_wait3A_135 = arith.constant 0 : i32
        %dma_wait3A_136 = tpu.memref_slice %arg12[%dma_wait3A_135] : memref<8000xi32, #tpu.memory_space<vmem>> -> memref<4000xi32, #tpu.memory_space<vmem>>
        %dma_wait3A_137 = tpu.memref_slice %arg3[%mul3A_125] : memref<2000000xi32, #tpu.memory_space<hbm>> -> memref<4000xi32, #tpu.memory_space<hbm>>
        tpu.wait_dma2 semaphore(%arg18 : memref<!tpu.dma_semaphore, #tpu.memory_space<semaphore_mem>>) src(%dma_wait3A_137 : memref<4000xi32, #tpu.memory_space<hbm>>) dst(%dma_wait3A_136 : memref<4000xi32, #tpu.memory_space<vmem>>)
        %dma_start3A_138 = arith.constant 0 : i32
        %dma_start3A_139 = tpu.memref_slice %arg13[%dma_start3A_138] : memref<8000xf32, #tpu.memory_space<vmem>> -> memref<4000xf32, #tpu.memory_space<vmem>>
        %dma_start3A_140 = arith.constant 0 : i32
        %dma_start3A_141 = tpu.memref_slice %arg12[%dma_start3A_140] : memref<8000xi32, #tpu.memory_space<vmem>> -> memref<4000xi32, #tpu.memory_space<vmem>>
        %dma_start3A_142 = arith.constant 0 : i32
        %dma_start3A_143 = tpu.memref_slice %arg5[%dma_start3A_142] : memref<500000xf32, #tpu.memory_space<hbm>> -> memref<500000xf32, #tpu.memory_space<hbm>>
        tpu.enqueue_indirect_dma source(%dma_start3A_143 : memref<500000xf32, #tpu.memory_space<hbm>>) target(%dma_start3A_139 : memref<4000xf32, #tpu.memory_space<vmem>>) offsets(%dma_start3A_141 : memref<4000xi32, #tpu.memory_space<vmem>>) semaphore(%arg19 : memref<!tpu.dma_semaphore, #tpu.memory_space<semaphore_mem>>)
        %dma_start3A_144 = arith.constant 0 : i32
        %dma_start3A_145 = tpu.memref_slice %arg14[%dma_start3A_144] : memref<8000xf32, #tpu.memory_space<vmem>> -> memref<4000xf32, #tpu.memory_space<vmem>>
        %dma_start3A_146 = arith.constant 0 : i32
        %dma_start3A_147 = tpu.memref_slice %arg12[%dma_start3A_146] : memref<8000xi32, #tpu.memory_space<vmem>> -> memref<4000xi32, #tpu.memory_space<vmem>>
        %dma_start3A_148 = arith.constant 0 : i32
        %dma_start3A_149 = tpu.memref_slice %arg6[%dma_start3A_148] : memref<500000xf32, #tpu.memory_space<hbm>> -> memref<500000xf32, #tpu.memory_space<hbm>>
        tpu.enqueue_indirect_dma source(%dma_start3A_149 : memref<500000xf32, #tpu.memory_space<hbm>>) target(%dma_start3A_145 : memref<4000xf32, #tpu.memory_space<vmem>>) offsets(%dma_start3A_147 : memref<4000xi32, #tpu.memory_space<vmem>>) semaphore(%arg19 : memref<!tpu.dma_semaphore, #tpu.memory_space<semaphore_mem>>)
        %dma_start3A_150 = arith.constant 0 : i32
        %dma_start3A_151 = tpu.memref_slice %arg15[%dma_start3A_150] : memref<8000xf32, #tpu.memory_space<vmem>> -> memref<4000xf32, #tpu.memory_space<vmem>>
        %dma_start3A_152 = arith.constant 0 : i32
        %dma_start3A_153 = tpu.memref_slice %arg12[%dma_start3A_152] : memref<8000xi32, #tpu.memory_space<vmem>> -> memref<4000xi32, #tpu.memory_space<vmem>>
        %dma_start3A_154 = arith.constant 0 : i32
        %dma_start3A_155 = tpu.memref_slice %arg7[%dma_start3A_154] : memref<500000xf32, #tpu.memory_space<hbm>> -> memref<500000xf32, #tpu.memory_space<hbm>>
        tpu.enqueue_indirect_dma source(%dma_start3A_155 : memref<500000xf32, #tpu.memory_space<hbm>>) target(%dma_start3A_151 : memref<4000xf32, #tpu.memory_space<vmem>>) offsets(%dma_start3A_153 : memref<4000xi32, #tpu.memory_space<vmem>>) semaphore(%arg19 : memref<!tpu.dma_semaphore, #tpu.memory_space<semaphore_mem>>)
      } else {
      }
      %lt3A_105 = arith.constant 500 : i32
      %lt3A_106 = arith.cmpi slt, %add3A_92, %lt3A_105 : i32
      %convert_element_type3A_107 = arith.extui %lt3A_106 : i1 to i32
      %cond3A_108 = arith.constant 0 : i32
      %cond3A_109 = arith.cmpi ne, %convert_element_type3A_107, %cond3A_108 : i32
      scf.if %cond3A_109 {
        %dma_wait3A_110 = arith.constant 4000 : i32
        %dma_wait3A_111 = tpu.memref_slice %arg13[%dma_wait3A_110] : memref<8000xf32, #tpu.memory_space<vmem>> -> memref<4000xf32, #tpu.memory_space<vmem>>
        %dma_wait3A_112 = arith.constant 4000 : i32
        %dma_wait3A_113 = tpu.memref_slice %arg12[%dma_wait3A_112] : memref<8000xi32, #tpu.memory_space<vmem>> -> memref<4000xi32, #tpu.memory_space<vmem>>
        %dma_wait3A_114 = arith.constant 0 : i32
        %dma_wait3A_115 = tpu.memref_slice %arg5[%dma_wait3A_114] : memref<500000xf32, #tpu.memory_space<hbm>> -> memref<500000xf32, #tpu.memory_space<hbm>>
        tpu.wait_indirect_dma semaphore(%arg20 : memref<!tpu.dma_semaphore, #tpu.memory_space<semaphore_mem>>) src(%dma_wait3A_115 : memref<500000xf32, #tpu.memory_space<hbm>>) dst(%dma_wait3A_111 : memref<4000xf32, #tpu.memory_space<vmem>>)
        %dma_wait3A_116 = arith.constant 4000 : i32
        %dma_wait3A_117 = tpu.memref_slice %arg14[%dma_wait3A_116] : memref<8000xf32, #tpu.memory_space<vmem>> -> memref<4000xf32, #tpu.memory_space<vmem>>
        %dma_wait3A_118 = arith.constant 4000 : i32
        %dma_wait3A_119 = tpu.memref_slice %arg12[%dma_wait3A_118] : memref<8000xi32, #tpu.memory_space<vmem>> -> memref<4000xi32, #tpu.memory_space<vmem>>
        %dma_wait3A_120 = arith.constant 0 : i32
        %dma_wait3A_121 = tpu.memref_slice %arg6[%dma_wait3A_120] : memref<500000xf32, #tpu.memory_space<hbm>> -> memref<500000xf32, #tpu.memory_space<hbm>>
        tpu.wait_indirect_dma semaphore(%arg20 : memref<!tpu.dma_semaphore, #tpu.memory_space<semaphore_mem>>) src(%dma_wait3A_121 : memref<500000xf32, #tpu.memory_space<hbm>>) dst(%dma_wait3A_117 : memref<4000xf32, #tpu.memory_space<vmem>>)
        %dma_wait3A_122 = arith.constant 4000 : i32
        %dma_wait3A_123 = tpu.memref_slice %arg15[%dma_wait3A_122] : memref<8000xf32, #tpu.memory_space<vmem>> -> memref<4000xf32, #tpu.memory_space<vmem>>
        %dma_wait3A_124 = arith.constant 4000 : i32
        %dma_wait3A_125 = tpu.memref_slice %arg12[%dma_wait3A_124] : memref<8000xi32, #tpu.memory_space<vmem>> -> memref<4000xi32, #tpu.memory_space<vmem>>
        %dma_wait3A_126 = arith.constant 0 : i32
        %dma_wait3A_127 = tpu.memref_slice %arg7[%dma_wait3A_126] : memref<500000xf32, #tpu.memory_space<hbm>> -> memref<500000xf32, #tpu.memory_space<hbm>>
        tpu.wait_indirect_dma semaphore(%arg20 : memref<!tpu.dma_semaphore, #tpu.memory_space<semaphore_mem>>) src(%dma_wait3A_127 : memref<500000xf32, #tpu.memory_space<hbm>>) dst(%dma_wait3A_123 : memref<4000xf32, #tpu.memory_space<vmem>>)
        %scan3A_128 = arith.constant 0 : i32
        %scan3A_129 = arith.constant 248 : i32
        %scan3A_130 = arith.addi %scan3A_128, %scan3A_129 : i32
        %scan3A_131 = arith.constant 4 : i32
        scf.for %scan3A_185 = %scan3A_128 to %scan3A_130 step %scan3A_131  : i32 {
          %mul3A_186 = arith.constant 1 : i32
          %mul3A_187 = arith.muli %scan3A_185, %mul3A_186 : i32
          %add3A_188 = arith.constant 0 : i32
          %add3A_189 = arith.addi %add3A_188, %mul3A_187 : i32
          %mul3A_190 = arith.constant 16 : i32
          %mul3A_191 = arith.muli %add3A_189, %mul3A_190 : i32
          %add3A_192 = arith.constant 4000 : i32
          %add3A_193 = arith.addi %add3A_192, %mul3A_191 : i32
          %get3A_194 = arith.index_cast %add3A_193 : i32 to index
          %get3A_195 = tpu.vector_load %arg13[%get3A_194] {strides = array<i32>} : memref<8000xf32, #tpu.memory_space<vmem>>, vector<16xf32>,
          %swap3A_196 = arith.index_cast %add3A_193 : i32 to index
          %swap3A_197 = tpu.vector_load %arg16[%swap3A_196] {strides = array<i32>} : memref<8000xf32, #tpu.memory_space<vmem>>, vector<16xf32>,
          tpu.vector_store %arg16[%swap3A_196], %get3A_195 {strides = array<i32>} : memref<8000xf32, #tpu.memory_space<vmem>>, vector<16xf32>,
          %get3A_198 = arith.index_cast %add3A_193 : i32 to index
          %get3A_199 = tpu.vector_load %arg14[%get3A_198] {strides = array<i32>} : memref<8000xf32, #tpu.memory_space<vmem>>, vector<16xf32>,
          %swap3A_200 = arith.index_cast %add3A_193 : i32 to index
          %swap3A_201 = tpu.vector_load %arg17[%swap3A_200] {strides = array<i32>} : memref<8000xf32, #tpu.memory_space<vmem>>, vector<16xf32>,
          tpu.vector_store %arg17[%swap3A_200], %get3A_199 {strides = array<i32>} : memref<8000xf32, #tpu.memory_space<vmem>>, vector<16xf32>,
          %scan3A_202 = arith.constant 1 : i32
          %scan3A_203 = arith.addi %scan3A_185, %scan3A_202 : i32
          %mul3A_204 = arith.constant 1 : i32
          %mul3A_205 = arith.muli %scan3A_203, %mul3A_204 : i32
          %add3A_206 = arith.constant 0 : i32
          %add3A_207 = arith.addi %add3A_206, %mul3A_205 : i32
          %mul3A_208 = arith.constant 16 : i32
          %mul3A_209 = arith.muli %add3A_207, %mul3A_208 : i32
          %add3A_210 = arith.constant 4000 : i32
          %add3A_211 = arith.addi %add3A_210, %mul3A_209 : i32
          %get3A_212 = arith.index_cast %add3A_211 : i32 to index
          %get3A_213 = tpu.vector_load %arg13[%get3A_212] {strides = array<i32>} : memref<8000xf32, #tpu.memory_space<vmem>>, vector<16xf32>,
          %swap3A_214 = arith.index_cast %add3A_211 : i32 to index
          %swap3A_215 = tpu.vector_load %arg16[%swap3A_214] {strides = array<i32>} : memref<8000xf32, #tpu.memory_space<vmem>>, vector<16xf32>,
          tpu.vector_store %arg16[%swap3A_214], %get3A_213 {strides = array<i32>} : memref<8000xf32, #tpu.memory_space<vmem>>, vector<16xf32>,
          %get3A_216 = arith.index_cast %add3A_211 : i32 to index
          %get3A_217 = tpu.vector_load %arg14[%get3A_216] {strides = array<i32>} : memref<8000xf32, #tpu.memory_space<vmem>>, vector<16xf32>,
          %swap3A_218 = arith.index_cast %add3A_211 : i32 to index
          %swap3A_219 = tpu.vector_load %arg17[%swap3A_218] {strides = array<i32>} : memref<8000xf32, #tpu.memory_space<vmem>>, vector<16xf32>,
          tpu.vector_store %arg17[%swap3A_218], %get3A_217 {strides = array<i32>} : memref<8000xf32, #tpu.memory_space<vmem>>, vector<16xf32>,
          %scan3A_220 = arith.constant 2 : i32
          %scan3A_221 = arith.addi %scan3A_185, %scan3A_220 : i32
          %mul3A_222 = arith.constant 1 : i32
          %mul3A_223 = arith.muli %scan3A_221, %mul3A_222 : i32
          %add3A_224 = arith.constant 0 : i32
          %add3A_225 = arith.addi %add3A_224, %mul3A_223 : i32
          %mul3A_226 = arith.constant 16 : i32
          %mul3A_227 = arith.muli %add3A_225, %mul3A_226 : i32
          %add3A_228 = arith.constant 4000 : i32
          %add3A_229 = arith.addi %add3A_228, %mul3A_227 : i32
          %get3A_230 = arith.index_cast %add3A_229 : i32 to index
          %get3A_231 = tpu.vector_load %arg13[%get3A_230] {strides = array<i32>} : memref<8000xf32, #tpu.memory_space<vmem>>, vector<16xf32>,
          %swap3A_232 = arith.index_cast %add3A_229 : i32 to index
          %swap3A_233 = tpu.vector_load %arg16[%swap3A_232] {strides = array<i32>} : memref<8000xf32, #tpu.memory_space<vmem>>, vector<16xf32>,
          tpu.vector_store %arg16[%swap3A_232], %get3A_231 {strides = array<i32>} : memref<8000xf32, #tpu.memory_space<vmem>>, vector<16xf32>,
          %get3A_234 = arith.index_cast %add3A_229 : i32 to index
          %get3A_235 = tpu.vector_load %arg14[%get3A_234] {strides = array<i32>} : memref<8000xf32, #tpu.memory_space<vmem>>, vector<16xf32>,
          %swap3A_236 = arith.index_cast %add3A_229 : i32 to index
          %swap3A_237 = tpu.vector_load %arg17[%swap3A_236] {strides = array<i32>} : memref<8000xf32, #tpu.memory_space<vmem>>, vector<16xf32>,
          tpu.vector_store %arg17[%swap3A_236], %get3A_235 {strides = array<i32>} : memref<8000xf32, #tpu.memory_space<vmem>>, vector<16xf32>,
          %scan3A_238 = arith.constant 3 : i32
          %scan3A_239 = arith.addi %scan3A_185, %scan3A_238 : i32
          %mul3A_240 = arith.constant 1 : i32
          %mul3A_241 = arith.muli %scan3A_239, %mul3A_240 : i32
          %add3A_242 = arith.constant 0 : i32
          %add3A_243 = arith.addi %add3A_242, %mul3A_241 : i32
          %mul3A_244 = arith.constant 16 : i32
          %mul3A_245 = arith.muli %add3A_243, %mul3A_244 : i32
          %add3A_246 = arith.constant 4000 : i32
          %add3A_247 = arith.addi %add3A_246, %mul3A_245 : i32
          %get3A_248 = arith.index_cast %add3A_247 : i32 to index
          %get3A_249 = tpu.vector_load %arg13[%get3A_248] {strides = array<i32>} : memref<8000xf32, #tpu.memory_space<vmem>>, vector<16xf32>,
          %swap3A_250 = arith.index_cast %add3A_247 : i32 to index
          %swap3A_251 = tpu.vector_load %arg16[%swap3A_250] {strides = array<i32>} : memref<8000xf32, #tpu.memory_space<vmem>>, vector<16xf32>,
          tpu.vector_store %arg16[%swap3A_250], %get3A_249 {strides = array<i32>} : memref<8000xf32, #tpu.memory_space<vmem>>, vector<16xf32>,
          %get3A_252 = arith.index_cast %add3A_247 : i32 to index
          %get3A_253 = tpu.vector_load %arg14[%get3A_252] {strides = array<i32>} : memref<8000xf32, #tpu.memory_space<vmem>>, vector<16xf32>,
          %swap3A_254 = arith.index_cast %add3A_247 : i32 to index
          %swap3A_255 = tpu.vector_load %arg17[%swap3A_254] {strides = array<i32>} : memref<8000xf32, #tpu.memory_space<vmem>>, vector<16xf32>,
          tpu.vector_store %arg17[%swap3A_254], %get3A_253 {strides = array<i32>} : memref<8000xf32, #tpu.memory_space<vmem>>, vector<16xf32>,
        }
        %scan3A_132 = arith.constant 248 : i32
        %scan3A_133 = arith.addi %scan3A_128, %scan3A_132 : i32
        %mul3A_134 = arith.constant 1 : i32
        %mul3A_135 = arith.muli %scan3A_133, %mul3A_134 : i32
        %add3A_136 = arith.constant 0 : i32
        %add3A_137 = arith.addi %add3A_136, %mul3A_135 : i32
        %mul3A_138 = arith.constant 16 : i32
        %mul3A_139 = arith.muli %add3A_137, %mul3A_138 : i32
        %add3A_140 = arith.constant 4000 : i32
        %add3A_141 = arith.addi %add3A_140, %mul3A_139 : i32
        %get3A = arith.index_cast %add3A_141 : i32 to index
        %get3A_142 = tpu.vector_load %arg13[%get3A] {strides = array<i32>} : memref<8000xf32, #tpu.memory_space<vmem>>, vector<16xf32>,
        %swap3A = arith.index_cast %add3A_141 : i32 to index
        %swap3A_143 = tpu.vector_load %arg16[%swap3A] {strides = array<i32>} : memref<8000xf32, #tpu.memory_space<vmem>>, vector<16xf32>,
        tpu.vector_store %arg16[%swap3A], %get3A_142 {strides = array<i32>} : memref<8000xf32, #tpu.memory_space<vmem>>, vector<16xf32>,
        %get3A_144 = arith.index_cast %add3A_141 : i32 to index
        %get3A_145 = tpu.vector_load %arg14[%get3A_144] {strides = array<i32>} : memref<8000xf32, #tpu.memory_space<vmem>>, vector<16xf32>,
        %swap3A_146 = arith.index_cast %add3A_141 : i32 to index
        %swap3A_147 = tpu.vector_load %arg17[%swap3A_146] {strides = array<i32>} : memref<8000xf32, #tpu.memory_space<vmem>>, vector<16xf32>,
        tpu.vector_store %arg17[%swap3A_146], %get3A_145 {strides = array<i32>} : memref<8000xf32, #tpu.memory_space<vmem>>, vector<16xf32>,
        %scan3A_148 = arith.constant 249 : i32
        %scan3A_149 = arith.addi %scan3A_128, %scan3A_148 : i32
        %mul3A_150 = arith.constant 1 : i32
        %mul3A_151 = arith.muli %scan3A_149, %mul3A_150 : i32
        %add3A_152 = arith.constant 0 : i32
        %add3A_153 = arith.addi %add3A_152, %mul3A_151 : i32
        %mul3A_154 = arith.constant 16 : i32
        %mul3A_155 = arith.muli %add3A_153, %mul3A_154 : i32
        %add3A_156 = arith.constant 4000 : i32
        %add3A_157 = arith.addi %add3A_156, %mul3A_155 : i32
        %get3A_158 = arith.index_cast %add3A_157 : i32 to index
        %get3A_159 = tpu.vector_load %arg13[%get3A_158] {strides = array<i32>} : memref<8000xf32, #tpu.memory_space<vmem>>, vector<16xf32>,
        %swap3A_160 = arith.index_cast %add3A_157 : i32 to index
        %swap3A_161 = tpu.vector_load %arg16[%swap3A_160] {strides = array<i32>} : memref<8000xf32, #tpu.memory_space<vmem>>, vector<16xf32>,
        tpu.vector_store %arg16[%swap3A_160], %get3A_159 {strides = array<i32>} : memref<8000xf32, #tpu.memory_space<vmem>>, vector<16xf32>,
        %get3A_162 = arith.index_cast %add3A_157 : i32 to index
        %get3A_163 = tpu.vector_load %arg14[%get3A_162] {strides = array<i32>} : memref<8000xf32, #tpu.memory_space<vmem>>, vector<16xf32>,
        %swap3A_164 = arith.index_cast %add3A_157 : i32 to index
        %swap3A_165 = tpu.vector_load %arg17[%swap3A_164] {strides = array<i32>} : memref<8000xf32, #tpu.memory_space<vmem>>, vector<16xf32>,
        tpu.vector_store %arg17[%swap3A_164], %get3A_163 {strides = array<i32>} : memref<8000xf32, #tpu.memory_space<vmem>>, vector<16xf32>,
        %scan3A_166 = arith.constant 250 : i32
        %scan3A_167 = arith.constant 0 : i32
        %scan3A_168 = arith.constant 0 : i32
        %scan3A_169 = arith.addi %scan3A_167, %scan3A_168 : i32
        %scan3A_170 = arith.constant 0 : i32
        %mul3A_171 = arith.constant 4000 : i32
        %mul3A_172 = arith.muli %add3A_92, %mul3A_171 : i32
        %dma_start3A_173 = arith.constant 4000 : i32
        %dma_start3A_174 = tpu.memref_slice %arg16[%dma_start3A_173] : memref<8000xf32, #tpu.memory_space<vmem>> -> memref<4000xf32, #tpu.memory_space<vmem>>
        %dma_start3A_175 = tpu.memref_slice %arg8[%mul3A_172] : memref<2000000xf32, #tpu.memory_space<hbm>> -> memref<4000xf32, #tpu.memory_space<hbm>>
        %dma_start3A_176 = tpu.memref_slice %arg8[%mul3A_172] : memref<2000000xf32, #tpu.memory_space<hbm>> -> memref<4000xf32, #tpu.memory_space<hbm>>
        %dma_start3A_177 = arith.constant 4000 : i32
        %dma_start3A_178 = tpu.memref_slice %arg16[%dma_start3A_177] : memref<8000xf32, #tpu.memory_space<vmem>> -> memref<4000xf32, #tpu.memory_space<vmem>>
        tpu.enqueue_dma source(%dma_start3A_178 : memref<4000xf32, #tpu.memory_space<vmem>>) target(%dma_start3A_176 : memref<4000xf32, #tpu.memory_space<hbm>>) target_semaphore(%arg22 : memref<!tpu.dma_semaphore, #tpu.memory_space<semaphore_mem>>)
        %dma_start3A_179 = arith.constant 4000 : i32
        %dma_start3A_180 = tpu.memref_slice %arg17[%dma_start3A_179] : memref<8000xf32, #tpu.memory_space<vmem>> -> memref<4000xf32, #tpu.memory_space<vmem>>
        %dma_start3A_181 = tpu.memref_slice %arg9[%mul3A_172] : memref<2000000xf32, #tpu.memory_space<hbm>> -> memref<4000xf32, #tpu.memory_space<hbm>>
        %dma_start3A_182 = tpu.memref_slice %arg9[%mul3A_172] : memref<2000000xf32, #tpu.memory_space<hbm>> -> memref<4000xf32, #tpu.memory_space<hbm>>
        %dma_start3A_183 = arith.constant 4000 : i32
        %dma_start3A_184 = tpu.memref_slice %arg17[%dma_start3A_183] : memref<8000xf32, #tpu.memory_space<vmem>> -> memref<4000xf32, #tpu.memory_space<vmem>>
        tpu.enqueue_dma source(%dma_start3A_184 : memref<4000xf32, #tpu.memory_space<vmem>>) target(%dma_start3A_182 : memref<4000xf32, #tpu.memory_space<hbm>>) target_semaphore(%arg22 : memref<!tpu.dma_semaphore, #tpu.memory_space<semaphore_mem>>)
      } else {
      }
    }
    %scan3A_48 = arith.constant 8 : i32
    %add3A_49 = arith.constant 448 : i32
    %add3A_50 = arith.addi %add3A, %add3A_49 : i32
    %lt3A = arith.constant 500 : i32
    %lt3A_51 = arith.cmpi slt, %add3A_50, %lt3A : i32
    %convert_element_type3A = arith.extui %lt3A_51 : i1 to i32
    %cond3A = arith.constant 0 : i32
    %cond3A_52 = arith.cmpi ne, %convert_element_type3A, %cond3A : i32
    scf.if %cond3A_52 {
      %add3A_60 = arith.constant 448 : i32
      %add3A_61 = arith.addi %add3A, %add3A_60 : i32
      %mul3A_62 = arith.constant 4000 : i32
      %mul3A_63 = arith.muli %add3A_61, %mul3A_62 : i32
      %dma_wait3A_64 = arith.constant 0 : i32
      %dma_wait3A_65 = tpu.memref_slice %arg16[%dma_wait3A_64] : memref<8000xf32, #tpu.memory_space<vmem>> -> memref<4000xf32, #tpu.memory_space<vmem>>
      %dma_wait3A_66 = tpu.memref_slice %arg8[%mul3A_63] : memref<2000000xf32, #tpu.memory_space<hbm>> -> memref<4000xf32, #tpu.memory_space<hbm>>
      %dma_wait3A_67 = tpu.memref_slice %arg8[%mul3A_63] : memref<2000000xf32, #tpu.memory_space<hbm>> -> memref<4000xf32, #tpu.memory_space<hbm>>
      %dma_wait3A_68 = arith.constant 0 : i32
      %dma_wait3A_69 = tpu.memref_slice %arg16[%dma_wait3A_68] : memref<8000xf32, #tpu.memory_space<vmem>> -> memref<4000xf32, #tpu.memory_space<vmem>>
      tpu.wait_dma2 semaphore(%arg21 : memref<!tpu.dma_semaphore, #tpu.memory_space<semaphore_mem>>) src(%dma_wait3A_69 : memref<4000xf32, #tpu.memory_space<vmem>>) dst(%dma_wait3A_67 : memref<4000xf32, #tpu.memory_space<hbm>>)
      %dma_wait3A_70 = arith.constant 0 : i32
      %dma_wait3A_71 = tpu.memref_slice %arg17[%dma_wait3A_70] : memref<8000xf32, #tpu.memory_space<vmem>> -> memref<4000xf32, #tpu.memory_space<vmem>>
      %dma_wait3A_72 = tpu.memref_slice %arg9[%mul3A_63] : memref<2000000xf32, #tpu.memory_space<hbm>> -> memref<4000xf32, #tpu.memory_space<hbm>>
      %dma_wait3A_73 = tpu.memref_slice %arg9[%mul3A_63] : memref<2000000xf32, #tpu.memory_space<hbm>> -> memref<4000xf32, #tpu.memory_space<hbm>>
      %dma_wait3A_74 = arith.constant 0 : i32
      %dma_wait3A_75 = tpu.memref_slice %arg17[%dma_wait3A_74] : memref<8000xf32, #tpu.memory_space<vmem>> -> memref<4000xf32, #tpu.memory_space<vmem>>
      tpu.wait_dma2 semaphore(%arg21 : memref<!tpu.dma_semaphore, #tpu.memory_space<semaphore_mem>>) src(%dma_wait3A_75 : memref<4000xf32, #tpu.memory_space<vmem>>) dst(%dma_wait3A_73 : memref<4000xf32, #tpu.memory_space<hbm>>)
    } else {
    }
    %add3A_53 = arith.constant 480 : i32
    %add3A_54 = arith.addi %add3A, %add3A_53 : i32
    %lt3A_55 = arith.constant 500 : i32
    %lt3A_56 = arith.cmpi slt, %add3A_54, %lt3A_55 : i32
    %convert_element_type3A_57 = arith.extui %lt3A_56 : i1 to i32
    %cond3A_58 = arith.constant 0 : i32
    %cond3A_59 = arith.cmpi ne, %convert_element_type3A_57, %cond3A_58 : i32
    scf.if %cond3A_59 {
      %add3A_60 = arith.constant 480 : i32
      %add3A_61 = arith.addi %add3A, %add3A_60 : i32
      %mul3A_62 = arith.constant 4000 : i32
      %mul3A_63 = arith.muli %add3A_61, %mul3A_62 : i32
      %dma_wait3A_64 = arith.constant 4000 : i32
      %dma_wait3A_65 = tpu.memref_slice %arg16[%dma_wait3A_64] : memref<8000xf32, #tpu.memory_space<vmem>> -> memref<4000xf32, #tpu.memory_space<vmem>>
      %dma_wait3A_66 = tpu.memref_slice %arg8[%mul3A_63] : memref<2000000xf32, #tpu.memory_space<hbm>> -> memref<4000xf32, #tpu.memory_space<hbm>>
      %dma_wait3A_67 = tpu.memref_slice %arg8[%mul3A_63] : memref<2000000xf32, #tpu.memory_space<hbm>> -> memref<4000xf32, #tpu.memory_space<hbm>>
      %dma_wait3A_68 = arith.constant 4000 : i32
      %dma_wait3A_69 = tpu.memref_slice %arg16[%dma_wait3A_68] : memref<8000xf32, #tpu.memory_space<vmem>> -> memref<4000xf32, #tpu.memory_space<vmem>>
      tpu.wait_dma2 semaphore(%arg22 : memref<!tpu.dma_semaphore, #tpu.memory_space<semaphore_mem>>) src(%dma_wait3A_69 : memref<4000xf32, #tpu.memory_space<vmem>>) dst(%dma_wait3A_67 : memref<4000xf32, #tpu.memory_space<hbm>>)
      %dma_wait3A_70 = arith.constant 4000 : i32
      %dma_wait3A_71 = tpu.memref_slice %arg17[%dma_wait3A_70] : memref<8000xf32, #tpu.memory_space<vmem>> -> memref<4000xf32, #tpu.memory_space<vmem>>
      %dma_wait3A_72 = tpu.memref_slice %arg9[%mul3A_63] : memref<2000000xf32, #tpu.memory_space<hbm>> -> memref<4000xf32, #tpu.memory_space<hbm>>
      %dma_wait3A_73 = tpu.memref_slice %arg9[%mul3A_63] : memref<2000000xf32, #tpu.memory_space<hbm>> -> memref<4000xf32, #tpu.memory_space<hbm>>
      %dma_wait3A_74 = arith.constant 4000 : i32
      %dma_wait3A_75 = tpu.memref_slice %arg17[%dma_wait3A_74] : memref<8000xf32, #tpu.memory_space<vmem>> -> memref<4000xf32, #tpu.memory_space<vmem>>
      tpu.wait_dma2 semaphore(%arg22 : memref<!tpu.dma_semaphore, #tpu.memory_space<semaphore_mem>>) src(%dma_wait3A_75 : memref<4000xf32, #tpu.memory_space<vmem>>) dst(%dma_wait3A_73 : memref<4000xf32, #tpu.memory_space<hbm>>)
    } else {
    }
    return
  }
}

</mosaic_0001>

<sc_bundles>
// kernel: kernel.3.cloned.1.call-start
scs
__scs_entry_jumppad:
0x0: {  	(pc) =	sbr.rel $0x88, $3  }
0x1: {  	(tag) =	ssettag $0x0;
	lr =	simm.s32 $0x1  }
0x2: {  	[smem:$0x3F9B] =	sst lr;
	_ =	strace $0xD0000000  }
0x3: {  	_ = 	snop  }
0x4: {  	_ = 	snop  }
0x5: {  	_ = 	snop  }
0x6: {  	_ = 	snop  }
0x7: {  	_ = 	snop  }
__scs_overlays_trampoline_lowered:
0x8: {  	[smem:$0x3FAA] =	sst s0  }
0x9: {  	[smem:$0x3FAB] =	sst s1  }
0xa: {  	[smem:$0x3FAC] =	sst s2  }
0xb: {  	[smem:$0x3FAD] =	sst s3  }
0xc: {  	[smem:$0x3FAE] =	sst s4  }
0xd: {  	[smem:$0x3FAF] =	sst s5  }
0xe: {  	[smem:$0x3FB0] =	sst s6  }
0xf: {  	[smem:$0x3FB1] =	sst s7  }
0x10: {  	[smem:$0x3FB2] =	sst s8  }
0x11: {  	[smem:$0x3FB3] =	sst s9;
	s0 =	simm.s32 @!p0 $0x0  }
0x12: {  	s1 =	sld [smem:$0x3F99];
	s0 =	simm.s32 @p0 $0x1  }
0x13: {  	[smem:$0x3FB4] =	sst s0;
	s0 =	simm.s32 @!p1 $0x0  }
0x14: {  	s2 =	sld [smem:$0x3F98];
	s0 =	simm.s32 @p1 $0x1  }
0x15: {  	[smem:$0x3FB5] =	sst s0;
	s0 =	simm.s32 @!p2 $0x0  }
0x16: {  	s3 =	sld [smem:$0x3FDB];
	s0 =	simm.s32 @p2 $0x1  }
0x17: {  	s4 =	simm.s32 $0x1BF5;
	[smem:$0x3FB7] =	sst s0  }
0x18: {  	s0 =	sld [smem:$0x3F9A];
	_ =	swait.ge [sflag:s4], $0x0  }
0x19: {  	s7 =	sld [smem:$0x3F9B]  }
0x1a: {  	s8 =	sadd.s32 $0xFFFFE003, lr  }
0x1b: {  	s9 =	sadd.s32 $0xFFFFFEF7, lr;
	s5 =	simm.s32 $0xFFFFFFFF;
	p2 =	slt.u32 s8, $0xFFFFF086  }
0x1c: {  	p1 =	slt.u32 s9, $0xF7A;
	s5 =	simm.s32 @!p2 $0x0  }
0x1d: {  	s5 =	simm.s32 @p1 $0x1;
	p0 =	seq.s32 s7, s2  }
0x1e: {  	s7 =	smul.u32 @!p0 $0xF7A, s2;
	p2 =	seq.s32 @!p0 s5, $0x0  }
0x1f: {  	s9 =	smul.u32 $0xF7A, s1;
	s8 =	simm.s32 @!p0 $0x1BF5;
	p2 =	por !p2, p0  }
0x20: {  	[sflag:s8] =	ssyncset.s32 @!p0 $0xFFFFF086;
	s6 =	sadd.s32 @!p0 s3, s7;
	s7 =	simm.s32 @!p0 $0x108  }
0x21: {  	s3 =	sadd.s32 s3, s9;
	s6 =	sadd.s32 @!p0 $0x88, s6;
	s7 =	simm.s32 @p2 $0x1082  }
0x22: {  	[simem:s7], [sflag:s8] =	dma.local @!p0 [hbm:s6], $0xF7A  }
0x23: {  	s9 =	sor.u32 $0xD0000000, s2;
	s6 =	simm.s32 $0x108;
	_ =	swait.ge @!p0 [sflag:s8], $0x0  }
0x24: {  	s3 =	sadd.s32 $0x88, s3;
	s6 =	simm.s32 @!p1 $0x1082;
	[sflag:s4] =	ssyncset.s32 $0xFFFFF086  }
0x25: {  	[simem:s6], [sflag:s4] =	dma.local [hbm:s3], $0xF7A  }
0x26: {  	[smem:$0x3F9B] =	sst s1;
	(tag) =	ssettag s2;
	_ =	strace s9  }
0x27: {  	s1 =	sld [smem:$0x3FAB]  }
0x28: {  	s2 =	sld [smem:$0x3FAC]  }
0x29: {  	s4 =	sld [smem:$0x3FAE]  }
0x2a: {  	p0 =	seq.s32 s5, $0x0;
	s5 =	sld [smem:$0x3FAF]  }
0x2b: {  	s6 =	sld [smem:$0x3FB0]  }
0x2c: {  	s7 =	sld [smem:$0x3FB1]  }
0x2d: {  	s3 =	simm.s32 $0x108;
	s8 =	sld [smem:$0x3FB2]  }
0x2e: {  	s3 =	simm.s32 @!p0 $0x1082;
	s9 =	sld [smem:$0x3FB3]  }
0x2f: {  	lr =	sadd.s32 s0, s3;
	s0 =	sld [smem:$0x3FAA]  }
0x30: {  	s3 =	sld [smem:$0x3FAD]  }
0x31: {  	[smem:$0x3FB6] =	sst s10  }
0x32: {  	s10 =	sld [smem:$0x3FB4];
	_ =	sdelay $0x3  }
0x33: {  	p0 =	seq.s32 s10, $0x1;
	s10 =	sld [smem:$0x3FB6];
	_ =	sdelay $0x3  }
0x34: {  	[smem:$0x3FB6] =	sst s10  }
0x35: {  	s10 =	sld [smem:$0x3FB5];
	_ =	sdelay $0x3  }
0x36: {  	p1 =	seq.s32 s10, $0x1;
	s10 =	sld [smem:$0x3FB6];
	_ =	sdelay $0x3  }
0x37: {  	[smem:$0x3FB6] =	sst s10  }
0x38: {  	s10 =	sld [smem:$0x3FB7]  }
0x39: {  	_ = 	snop;
	(pc) =	sbr.ind lr, $3  }
0x3a: {  	_ = 	snop  }
0x3b: {  	_ = 	snop  }
0x3c: {  	p2 =	seq.s32 s10, $0x1;
	s10 =	sld [smem:$0x3FB6]  }
0x3d: {  	_ =	shalt  }
0x3e: {  	_ =	shalt  }
0x3f: {  	_ =	shalt  }
0x40: {  	_ =	shalt  }
0x41: {  	_ =	shalt  }
0x42: {  	_ =	shalt  }
0x43: {  	_ =	shalt  }
0x44: {  	_ =	shalt  }
0x45: {  	_ =	shalt  }
0x46: {  	_ =	shalt  }
0x47: {  	_ =	shalt  }
0x48: {  	_ =	shalt  }
0x49: {  	_ =	shalt  }
0x4a: {  	_ =	shalt  }
0x4b: {  	_ =	shalt  }
0x4c: {  	_ =	shalt  }
0x4d: {  	_ =	shalt  }
0x4e: {  	_ =	shalt  }
0x4f: {  	_ =	shalt  }
0x50: {  	_ =	shalt  }
0x51: {  	_ =	shalt  }
0x52: {  	_ =	shalt  }
0x53: {  	_ =	shalt  }
0x54: {  	_ =	shalt  }
0x55: {  	_ =	shalt  }
0x56: {  	_ =	shalt  }
0x57: {  	_ =	shalt  }
0x58: {  	_ =	shalt  }
0x59: {  	_ =	shalt  }
0x5a: {  	_ =	shalt  }
0x5b: {  	_ =	shalt  }
0x5c: {  	_ =	shalt  }
0x5d: {  	_ =	shalt  }
0x5e: {  	_ =	shalt  }
0x5f: {  	_ =	shalt  }
0x60: {  	_ =	shalt  }
0x61: {  	_ =	shalt  }
0x62: {  	_ =	shalt  }
0x63: {  	_ =	shalt  }
0x64: {  	_ =	shalt  }
0x65: {  	_ =	shalt  }
0x66: {  	_ =	shalt  }
0x67: {  	_ =	shalt  }
0x68: {  	_ =	shalt  }
0x69: {  	_ =	shalt  }
0x6a: {  	_ =	shalt  }
0x6b: {  	_ =	shalt  }
0x6c: {  	_ =	shalt  }
0x6d: {  	_ =	shalt  }
0x6e: {  	_ =	shalt  }
0x6f: {  	_ =	shalt  }
0x70: {  	_ =	shalt  }
0x71: {  	_ =	shalt  }
0x72: {  	_ =	shalt  }
0x73: {  	_ =	shalt  }
0x74: {  	_ =	shalt  }
0x75: {  	_ =	shalt  }
0x76: {  	_ =	shalt  }
0x77: {  	_ =	shalt  }
0x78: {  	_ =	shalt  }
0x79: {  	_ =	shalt  }
0x7a: {  	_ =	shalt  }
0x7b: {  	_ =	shalt  }
0x7c: {  	_ =	shalt  }
0x7d: {  	_ =	shalt  }
0x7e: {  	_ =	shalt  }
0x7f: {  	_ =	shalt  }
0x80: {  	_ =	shalt  }
0x81: {  	_ =	shalt  }
0x82: {  	_ =	shalt  }
0x83: {  	_ =	shalt  }
0x84: {  	_ =	shalt  }
0x85: {  	_ =	shalt  }
0x86: {  	_ =	shalt  }
0x87: {  	_ =	shalt  }
.Lfunc_end0:
.L_simem_size_0:
called_computation_lowered:
.L_overlay_start_0:
0x88: {  	s2 =	sld [smem:$0x3FD9]  }
0x89: {  	s3 =	sld [smem:$0x3FFE];
	_ =	sdelay $0x1  }
0x8a: {  	s1 =	srdreg.scid  }
0x8b: {  	s0 =	sand.u32 $0x1, s1  }
0x8c: {  	s17 =	sshll.u32 s0, $0xA;
	s2 =	sadd.s32 s3, s2  }
0x8d: {  	s2 =	sadd.s32 s2, s17  }
0x8e: {  	[smem:$0x3FC2] =	sst s2  }
0x8f: {  	_ = 	snop  }
0x90: {  	s2 =	sld [smem:$0x3FC8]  }
0x91: {  	s18 =	sld [smem:$0x3FC7]  }
0x92: {  	s4 =	sld [smem:$0x3FD0];
	(tm) =	ssettm $0x1  }
0x93: {  	s5 =	sld [smem:$0x3FFB];
	_ =	sdelay $0x3  }
0x94: {  	_ =	strace s5  }
0x95: {  	s5 =	sld [smem:$0x3FFC];
	_ =	sdelay $0x3  }
0x96: {  	_ =	strace s5  }
0x97: {  	s5 =	sld [smem:$0x3FFD];
	_ =	sdelay $0x3  }
0x98: {  	_ =	strace s5  }
0x99: {  	_ =	strace $0x8FFFFFFF  }
0x9a: {  	s19 =	sld [smem:$0x3FDB];
	_ =	sdelay $0x1  }
0x9b: {  	s6 =	simm.s32 $_scs_section_size  }
0x9c: {  	s7 =	simm.s32 $_size__tile_overlayer_lowered;
	s8 =	simm.s32 $_tile_overlayer_lowered  }
0x9d: {  	s22 =	simm.s32 $0x1BFF;
	s21 =	sshll.u32 s8, $0x1;
	s5 =	sadd.s32 s6, s19  }
0x9e: {  	s9 =	simm.s32 $0x0;
	s20 =	sshll.u32 s7, $0x1;
	s7 =	sadd.s32 s21, s5  }
0x9f: {  	[timem:s9], [sflag:s22] =	dma.local [hbm:s7], s20  }
0xa0: {  	_ =	swait.ge [sflag:s22], s20  }
0xa1: {  	s6 =	ssub.s32 $0x0, s20;
	[sflag:s22] =	ssyncset.done $0x0  }
0xa2: {  	[sflag:s22] =	ssyncadd.s32 s6;
	_ =	sdelay $0x1  }
0xa3: {  	s23 =	simm.s32 $0x1B8B  }
0xa4: {  	_ =	swait.ge [sflag:s23], $0x1  }
0xa5: {  	[sflag:s23] =	ssyncset.done $0x0  }
0xa6: {  	s25 =	simm.s32 $0x1B8E;
	s24 =	sld [smem:$0x3FFE];
	[sflag:s23] =	ssyncadd.s32 $0xFFFFFFFF  }
0xa7: {  	s26 =	simm.s32 $execute0_lowered;
	[smem:$0x3FD2] =	sst s25  }
0xa8: {  	s7 =	sshll.u32 s26, $0x1;
	_ =	strace $0x80000046;
	[dreg:$0x1] =	wrdreg $0xFFFFFFFF  }
0xa9: {  	s28 =	simm.s32 $_size_execute0_lowered;
	s5 =	sadd.s32 s5, s7;
	[dreg:$0x0] =	wrdreg $0x0  }
0xaa: {  	s7 =	sshll.u32 s28, $0x1;
	[dreg:$0x2] =	wrdreg s5  }
0xab: {  	[dreg:$0x3] =	wrdreg s7  }
0xac: {  	[dreg:$0x4] =	wrdreg $0xC0  }
0xad: {  	_ =	task [dreg:s9], $0x5FFFF  }
0xae: {  	[dreg:$0x1] =	wrdreg $0xFFFFFFFF  }
0xaf: {  	[dreg:$0x0] =	wrdreg $0x60  }
0xb0: {  	[dreg:$0x2] =	wrdreg s2  }
0xb1: {  	[dreg:$0x3] =	wrdreg s18  }
0xb2: {  	[dreg:$0x4] =	wrdreg s24  }
0xb3: {  	[dreg:$0x5] =	wrdreg s4  }
0xb4: {  	[dreg:$0x6] =	wrdreg $0x9  }
0xb5: {  	_ =	task.clear_ibuf [dreg:s9], $0x7FFFF;
	_ =	strace $0x90000046  }
0xb6: {  	s29 =	simm.s32 $0x9;
	_ =	strace $0x80000048  }
0xb7: {  	_ =	swait.ge [sflag:s29], $0x1  }
0xb8: {  	[sflag:s29] =	ssyncadd.s32 $0xFFFFFFFF  }
0xb9: {  	_ =	strace $0x90000048  }
0xba: {  	_ =	sfence  }
0xbb: {  	s30 =	sld [smem:$0x0];
	_ =	sdelay $0x2  }
0xbc: {  	s31 =	sshll.u32 s1, $0xD;
	s1 =	sshrl.u32 s1, $0x2  }
0xbd: {  	s3 =	sand.u32 $0x4000, s31;
	s1 =	sadd.s32 s1, s30  }
0xbe: {  	s0 =	sor.u32 s3, s0;
	s1 =	sshll.u32 s1, $0x11  }
0xbf: {  	s0 =	sor.u32 s1, s0  }
0xc0: {  	s0 =	sadd.s32 $0x8F2B, s0  }
0xc1: {  	[sflag:s0] =	ssyncadd.remote.s32 $0x1  }
0xc2: {  	_ =	sfence.sel $0xFFFF  }
0xc3: {  	[dreg:$0x0] =	wrdreg $0xFFFFFFFF;
	(pc) =	sbr.abs _section_cstart, $3  }
0xc4: {  	[dreg:$0x1] =	wrdreg $0xFFFFFFFF  }
0xc5: {  	_ =	task.clear_ibuf [dreg:s9], $0x2FFFF;
	_ =	strace $0x9FFFFFFF  }
0xc6: {  	(tm) =	ssettm $0x7FFFFFFF  }
0xc7: {  	_ =	shalt  }
tec
execute0_lowered:
.L_overlay_start_1:
0x0: {  	(tag) =	ssettag $0x1  }
0x1: {  	s1 =	rddreg [dreg:$0x0]  }
0x2: {  	s2 =	rddreg [dreg:$0x1]  }
0x3: {  	s0 =	rddreg [dreg:$0x2]  }
0x4: {  	s3 =	rddreg [dreg:$0x3];
	s5 =	simm.s32 $0x0  }
0x5: {  	s4 =	srdreg.scid;
	s12 =	stileid.u32;
	s16 =	simm.s32 $0x4E80  }
0x6: {  	s17 =	simm.s32 $0x6E00;
	s18 =	simm.s32 $0x1;
	s19 =	simm.s32 $0xFA0  }
0x7: {  	s20 =	simm.s32 $0x8D80;
	s21 =	simm.s32 $0xAD00;
	s22 =	simm.s32 $0xCC80  }
0x8: {  	s23 =	simm.s32 $0x2;
	s24 =	simm.s32 $0xEC00;
	s28 =	simm.s32 $0xFBA0  }
0x9: {  	s29 =	simm.s32 $0x11B20;
	s31 =	simm.s32 $0x0;
	[smem:$0x7FF] =	sst s5  }
0xa: {  	s4 =	sand.u32 $0x1, s4;
	s6 =	sshll.u32 s12, $0x1;
	s7 =	sadd.s32 $0xA00, s0  }
0xb: {  	s9 =	sadd.s32 $0x10A00, s0;
	s10 =	sadd.s32 $0x1400, s0;
	s8 =	sor.u32 s4, s6  }
0xc: {  	s11 =	sadd.s32 $0x2F600, s0;
	_ =	strace $0x80000047;
	s6 =	smul.u32 $0x1F4, s8  }
.Ltmp0:
0xd: {  	[dreg:$0x5] =	wrdreg s7;
	s4 =	ssub.s32 $0x2, s4;
	(pc) =	sbr.rel .LBB2_1-.Ltmp0, $4  }
0xe: {  	s7 =	sadd.s32 $0x20000, s0;
	s25 =	sshrl.u32 s4, $0x1;
	s26 =	sadd.s32 s1, s6  }
0xf: {  	s0 =	ssub.s32 s4, s25;
	s30 =	sadd.s32 s2, s6;
	[dreg:$0x6] =	wrdreg s26  }
0x10: {  	p0 =	sgt.u32 s12, $0x9;
	s0 =	smax.u32 s0, $0x1;
	[dreg:$0x7] =	wrdreg s30  }
0x11: {  	s25 =	simm.s32 $0x10B80;
	[dreg:$0x8] =	wrdreg s0;
	s26 =	simm.s32 $0x3  }
.LBB2_11:
0x12: {  	s0 =	simm.s32 $0x4  }
0x13: {  	_ =	swait.ge [sflag:s0], $0xFA0  }
0x14: {  	[sflag:s0] =	ssyncset.done $0x0  }
0x15: {  	[sflag:s0] =	ssyncadd.s32 $0xFFFFF060  }
0x16: {  	_ =	swait.ge [sflag:s0], $0xFA0  }
0x17: {  	[sflag:s0] =	ssyncset.done $0x0  }
0x18: {  	[sflag:s0] =	ssyncadd.s32 $0xFFFFF060;
	s0 =	simm.s32 @!p0 $0x5  }
0x19: {  	_ =	swait.ge @!p0 [sflag:s0], $0xFA0  }
0x1a: {  	[sflag:s0] =	ssyncset.done @!p0 $0x0  }
0x1b: {  	[sflag:s0] =	ssyncadd.s32 @!p0 $0xFFFFF060  }
0x1c: {  	_ =	swait.ge @!p0 [sflag:s0], $0xFA0  }
0x1d: {  	s31 =	sadd.s32 $0x1, s31;
	s4 =	rddreg [dreg:$0x8]  }
0x1e: {  	p1 =	sne.s32 s31, s4  }
.Ltmp1:
0x1f: {  	_ = 	snop;
	(pc) =	sbr.rel @!p1 .LBB2_12-.Ltmp1, $3  }
0x20: {  	_ =	sdelay $0x1  }
0x21: {  	[sflag:s0] =	ssyncset.done @!p0 $0x0  }
0x22: {  	[sflag:s0] =	ssyncadd.s32 @!p0 $0xFFFFF060  }
.LBB2_1:
0x23: {  	s0 =	rddreg [dreg:$0x5];
	s14 =	simm.s32 $0x6  }
0x24: {  	[tilespmem:s5], [sflag:$0x6] =	stream.linear.gather [hbm4b:s0+s5], $0x4E80, $0x38;
	[tilespmem:$0x12B00] =	vst v63  }
0x25: {  	_ =	swait.ge [sflag:s14], $0x4E80  }
0x26: {  	[sflag:s14] =	ssyncset.done $0x0  }
0x27: {  	s15 =	rddreg [dreg:$0x6];
	[sflag:s14] =	ssyncadd.s32 $0xFFFFB180  }
0x28: {  	[tilespmem:s16], [sflag:$0x1] =	stream.linear.gather [hbm4b:s15+s5], $0xFA0, $0x38;
	[tilespmem:$0x12B00] =	vst v63  }
0x29: {  	s30 =	rddreg [dreg:$0x7]  }
0x2a: {  	[tilespmem:s17], [sflag:$0x1] =	stream.linear.gather [hbm4b:s30+s5], $0xFA0, $0x38;
	[tilespmem:$0x12B00] =	vst v63  }
0x2b: {  	_ =	swait.ge [sflag:s18], $0xFA0  }
0x2c: {  	[sflag:s18] =	ssyncset.done $0x0  }
0x2d: {  	[sflag:s18] =	ssyncadd.s32 $0xFFFFF060  }
0x2e: {  	_ =	swait.ge [sflag:s18], $0xFA0  }
0x2f: {  	[sflag:s18] =	ssyncset.done $0x0  }
0x30: {  	[sflag:s18] =	ssyncadd.s32 $0xFFFFF060  }
0x31: {  	[tilespmem:s20], [sflag:$0x2] =	stream.indirect.gather [hbm4b:s7+s19], $0x1, s17, s19, $0xb8;
	[tilespmem:$0x12B00] =	vst v63  }
.Ltmp2:
0x32: {  	_ = 	snop;
	(pc) =	sbr.rel .LBB2_2-.Ltmp2, $4  }
0x33: {  	_ = 	snop  }
0x34: {  	[tilespmem:s21], [sflag:$0x2] =	stream.indirect.gather [hbm4b:s9+s19], $0x1, s17, s19, $0xb8;
	[tilespmem:$0x12B00] =	vst v63  }
0x35: {  	s0 =	simm.s32 $0x0  }
0x36: {  	[tilespmem:s22], [sflag:$0x2] =	stream.indirect.gather [hbm4b:s10+s19], $0x1, s17, s19, $0xb8;
	[tilespmem:$0x12B00] =	vst v63  }
.LBB2_10:
0x37: {  	s0 =	sadd.s32 $0x1, s0  }
0x38: {  	p1 =	sne.s32 s0, $0x8  }
.Ltmp3:
0x39: {  	_ = 	snop;
	(pc) =	sbr.rel @!p1 .LBB2_11-.Ltmp3, $1  }
0x3a: {  	_ =	sdelay $0x3  }
.LBB2_2:
0x3b: {  	p1 =	seq.s32 s0, $0x0  }
0x3c: {  	s4 =	sshll.u32 s0, $0x6;
	s12 =	simm.s32 @!p1 $0x4  }
0x3d: {  	s6 =	sor.u32 s8, s4;
	_ =	swait.ge @!p1 [sflag:s12], $0xFA0  }
0x3e: {  	s4 =	sor.u32 $0x20, s6;
	[sflag:s12] =	ssyncset.done @!p1 $0x0  }
0x3f: {  	p2 =	sgt.u32 s4, $0x1F3;
	[sflag:s12] =	ssyncadd.s32 @!p1 $0xFFFFF060  }
0x40: {  	s13 =	smul.u32 @!p2 $0x1F4, s4;
	_ =	swait.ge @!p1 [sflag:s12], $0xFA0  }
0x41: {  	s14 =	simm.s32 @!p2 $0x0;
	[sflag:s12] =	ssyncset.done @!p1 $0x0  }
0x42: {  	s15 =	simm.s32 @!p2 $0x5E20;
	[sflag:s12] =	ssyncadd.s32 @!p1 $0xFFFFF060;
	s12 =	sadd.s32 @!p2 s1, s13  }
0x43: {  	[tilespmem:s15], [sflag:$0x1] =	stream.linear.gather @!p2 [hbm4b:s12+s14], $0xFA0, $0x38;
	[tilespmem:$0x12B00] =	vst v63  }
0x44: {  	s12 =	sadd.s32 @!p2 s2, s13;
	s13 =	simm.s32 @!p2 $0x7DA0  }
0x45: {  	[tilespmem:s13], [sflag:$0x1] =	stream.linear.gather @!p2 [hbm4b:s12+s14], $0xFA0, $0x38;
	[tilespmem:$0x12B00] =	vst v63  }
0x46: {  	s12 =	simm.s32 @!p2 $0x1  }
0x47: {  	_ =	swait.ge @!p2 [sflag:s12], $0xFA0  }
0x48: {  	[sflag:s12] =	ssyncset.done @!p2 $0x0  }
0x49: {  	[sflag:s12] =	ssyncadd.s32 @!p2 $0xFFFFF060  }
0x4a: {  	_ =	swait.ge @!p2 [sflag:s12], $0xFA0  }
0x4b: {  	[sflag:s12] =	ssyncset.done @!p2 $0x0  }
0x4c: {  	s14 =	simm.s32 @!p2 $0x9D20;
	[sflag:s12] =	ssyncadd.s32 @!p2 $0xFFFFF060;
	s12 =	simm.s32 @!p2 $0xFA0  }
0x4d: {  	[tilespmem:s14], [sflag:$0x3] =	stream.indirect.gather @!p2 [hbm4b:s7+s12], $0x1, s13, s12, $0xb8;
	[tilespmem:$0x12B00] =	vst v63  }
0x4e: {  	s14 =	simm.s32 @!p2 $0xBCA0  }
0x4f: {  	[tilespmem:s14], [sflag:$0x3] =	stream.indirect.gather @!p2 [hbm4b:s9+s12], $0x1, s13, s12, $0xb8;
	[tilespmem:$0x12B00] =	vst v63  }
0x50: {  	s14 =	simm.s32 @!p2 $0xDC20  }
0x51: {  	[tilespmem:s14], [sflag:$0x3] =	stream.indirect.gather @!p2 [hbm4b:s10+s12], $0x1, s13, s12, $0xb8;
	[tilespmem:$0x12B00] =	vst v63  }
0x52: {  	_ =	swait.ge [sflag:s23], $0xFA0  }
0x53: {  	[sflag:s23] =	ssyncset.done $0x0  }
0x54: {  	[sflag:s23] =	ssyncadd.s32 $0xFFFFF060  }
0x55: {  	_ =	swait.ge [sflag:s23], $0xFA0  }
0x56: {  	[sflag:s23] =	ssyncset.done $0x0  }
0x57: {  	[sflag:s23] =	ssyncadd.s32 $0xFFFFF060  }
0x58: {  	_ =	swait.ge [sflag:s23], $0xFA0  }
0x59: {  	[sflag:s23] =	ssyncset.done $0x0  }
0x5a: {  	s15 =	simm.s32 $0x8DA0;
	[sflag:s23] =	ssyncadd.s32 $0xFFFFF060  }
0x5b: {  	v0 =	vld [tilespmem:s15+$0xFFFFFFE0];
	_ =	sdelay $0x3  }
0x5c: {  	s12 =	simm.s32 $0xEC20  }
0x5d: {  	s13 =	simm.s32 $0xAD20;
	[tilespmem:s12+$0xFFFFFFE0] =	vst v0  }
0x5e: {  	v0 =	vld [tilespmem:s13+$0xFFFFFFE0];
	_ =	sdelay $0x3  }
0x5f: {  	s14 =	simm.s32 $0x10BA0  }
0x60: {  	[tilespmem:s14+$0xFFFFFFE0] =	vst v0  }
0x61: {  	v0 =	vld [tilespmem:s15+$0xFFFFFFF0];
	_ =	sdelay $0x4  }
0x62: {  	[tilespmem:s12+$0xFFFFFFF0] =	vst v0  }
0x63: {  	v0 =	vld [tilespmem:s13+$0xFFFFFFF0];
	_ =	sdelay $0x4  }
0x64: {  	[tilespmem:s14+$0xFFFFFFF0] =	vst v0  }
0x65: {  	v0 =	vld [tilespmem:s15+$0x0];
	_ =	sdelay $0x4  }
0x66: {  	[tilespmem:s12+$0x0] =	vst v0  }
0x67: {  	v0 =	vld [tilespmem:s13+$0x0];
	_ =	sdelay $0x4  }
0x68: {  	[tilespmem:s14+$0x0] =	vst v0  }
0x69: {  	v0 =	vld [tilespmem:s15+$0x10];
	_ =	sdelay $0x4  }
0x6a: {  	[tilespmem:s12+$0x10] =	vst v0  }
0x6b: {  	v0 =	vld [tilespmem:s13+$0x10];
	_ =	sdelay $0x4  }
0x6c: {  	s30 =	simm.s32 $0x8DE0;
	s15 =	simm.s32 $0x0;
	[tilespmem:s14+$0x10] =	vst v0  }
.LBB2_3:
0x6d: {  	v0 =	vld [tilespmem:s30+$0xFFFFFFE0];
	s15 =	sadd.s32 $0x4, s15  }
0x6e: {  	p3 =	slt.u32 s15, $0xF4;
	_ =	sdelay $0x2  }
0x6f: {  	s12 =	sadd.s32 $0x40, s12  }
0x70: {  	s13 =	sadd.s32 $0x40, s13;
	[tilespmem:s12+$0xFFFFFFE0] =	vst v0  }
0x71: {  	v0 =	vld [tilespmem:s13+$0xFFFFFFE0];
	_ =	sdelay $0x3  }
0x72: {  	s14 =	sadd.s32 $0x40, s14  }
0x73: {  	[tilespmem:s14+$0xFFFFFFE0] =	vst v0  }
0x74: {  	v0 =	vld [tilespmem:s30+$0xFFFFFFF0];
	_ =	sdelay $0x4  }
0x75: {  	[tilespmem:s12+$0xFFFFFFF0] =	vst v0  }
0x76: {  	v0 =	vld [tilespmem:s13+$0xFFFFFFF0];
	_ =	sdelay $0x4  }
0x77: {  	[tilespmem:s14+$0xFFFFFFF0] =	vst v0  }
0x78: {  	v0 =	vld [tilespmem:s30+$0x0];
	_ =	sdelay $0x4  }
0x79: {  	[tilespmem:s12+$0x0] =	vst v0  }
0x7a: {  	v0 =	vld [tilespmem:s13+$0x0];
	_ =	sdelay $0x4  }
0x7b: {  	[tilespmem:s14+$0x0] =	vst v0  }
0x7c: {  	v0 =	vld [tilespmem:s30+$0x10];
	_ =	sdelay $0x4  }
0x7d: {  	[tilespmem:s12+$0x10] =	vst v0  }
0x7e: {  	v0 =	vld [tilespmem:s13+$0x10]  }
.Ltmp4:
0x7f: {  	(pc) =	sbr.rel @p3 .LBB2_3-.Ltmp4, $2  }
0x80: {  	_ =	sdelay $0x2  }
0x81: {  	s30 =	sadd.s32 $0x40, s30;
	[tilespmem:s14+$0x10] =	vst v0  }
0x82: {  	v0 =	vld [tilespmem:$0x9D00]  }
0x83: {  	v1 =	vld [tilespmem:$0xBC80]  }
0x84: {  	v2 =	vld [tilespmem:$0x9D10]  }
0x85: {  	v3 =	vld [tilespmem:$0xBC90];
	_ =	sdelay $0x1  }
0x86: {  	[tilespmem:$0xFB80] =	vst v0  }
0x87: {  	s6 =	smul.u32 $0x1F4, s6;
	[tilespmem:$0x11B00] =	vst v1  }
0x88: {  	[tilespmem:$0xFB90] =	vst v2  }
0x89: {  	s12 =	sadd.s32 s3, s6;
	[tilespmem:$0x11B10] =	vst v3  }
0x8a: {  	[hbm4b:s12+s5] =	stream.linear.scatter [tilespmem:s24], [sflag:$0x4], $0xFA0, $0x38;
	[tilespmem:$0x12B00] =	vst v63  }
0x8b: {  	s6 =	sadd.s32 s11, s6  }
0x8c: {  	[hbm4b:s6+s5] =	stream.linear.scatter [tilespmem:s25], [sflag:$0x4], $0xFA0, $0x38;
	[tilespmem:$0x12B00] =	vst v63  }
0x8d: {  	s6 =	simm.s32 @!p1 $0x5  }
0x8e: {  	p3 =	sgt.u32 s4, $0x1D3;
	_ =	swait.ge @!p1 [sflag:s6], $0xFA0  }
.Ltmp5:
0x8f: {  	[sflag:s6] =	ssyncset.done @!p1 $0x0;
	(pc) =	sbr.rel @p3 .LBB2_6-.Ltmp5, $4  }
0x90: {  	[sflag:s6] =	ssyncadd.s32 @!p1 $0xFFFFF060  }
0x91: {  	_ =	swait.ge @!p1 [sflag:s6], $0xFA0  }
0x92: {  	[sflag:s6] =	ssyncset.done @!p1 $0x0  }
0x93: {  	[sflag:s6] =	ssyncadd.s32 @!p1 $0xFFFFF060  }
0x94: {  	s6 =	smul.u32 $0xFA0, s4;
	_ =	sdelay $0x1  }
0x95: {  	s6 =	sshrl.u32 s6, $0x3  }
0x96: {  	s6 =	sadd.s32 $0x3E80, s6  }
0x97: {  	s12 =	sadd.s32 s1, s6  }
0x98: {  	[tilespmem:s16], [sflag:$0x1] =	stream.linear.gather [hbm4b:s12+s5], $0xFA0, $0x38;
	[tilespmem:$0x12B00] =	vst v63  }
0x99: {  	s6 =	sadd.s32 s2, s6  }
0x9a: {  	[tilespmem:s17], [sflag:$0x1] =	stream.linear.gather [hbm4b:s6+s5], $0xFA0, $0x38;
	[tilespmem:$0x12B00] =	vst v63  }
0x9b: {  	_ =	swait.ge [sflag:s18], $0xFA0  }
0x9c: {  	[sflag:s18] =	ssyncset.done $0x0  }
0x9d: {  	[sflag:s18] =	ssyncadd.s32 $0xFFFFF060  }
0x9e: {  	_ =	swait.ge [sflag:s18], $0xFA0  }
0x9f: {  	[sflag:s18] =	ssyncset.done $0x0  }
0xa0: {  	[sflag:s18] =	ssyncadd.s32 $0xFFFFF060  }
0xa1: {  	[tilespmem:s20], [sflag:$0x2] =	stream.indirect.gather [hbm4b:s7+s19], $0x1, s17, s19, $0xb8;
	[tilespmem:$0x12B00] =	vst v63  }
.Ltmp6:
0xa2: {  	_ = 	snop;
	(pc) =	sbr.rel .LBB2_7-.Ltmp6, $4  }
0xa3: {  	_ = 	snop  }
0xa4: {  	[tilespmem:s21], [sflag:$0x2] =	stream.indirect.gather [hbm4b:s9+s19], $0x1, s17, s19, $0xb8;
	[tilespmem:$0x12B00] =	vst v63  }
0xa5: {  	_ = 	snop  }
0xa6: {  	[tilespmem:s22], [sflag:$0x2] =	stream.indirect.gather [hbm4b:s10+s19], $0x1, s17, s19, $0xb8;
	[tilespmem:$0x12B00] =	vst v63  }
.LBB2_6:
.Ltmp7:
0xa7: {  	(pc) =	sbr.rel @p2 .LBB2_10-.Ltmp7, $1  }
0xa8: {  	_ =	sdelay $0x3  }
.LBB2_7:
0xa9: {  	_ =	swait.ge [sflag:s26], $0xFA0  }
0xaa: {  	[sflag:s26] =	ssyncset.done $0x0  }
0xab: {  	[sflag:s26] =	ssyncadd.s32 $0xFFFFF060  }
0xac: {  	_ =	swait.ge [sflag:s26], $0xFA0  }
0xad: {  	[sflag:s26] =	ssyncset.done $0x0  }
0xae: {  	[sflag:s26] =	ssyncadd.s32 $0xFFFFF060  }
0xaf: {  	_ =	swait.ge [sflag:s26], $0xFA0  }
0xb0: {  	[sflag:s26] =	ssyncset.done $0x0  }
0xb1: {  	s14 =	simm.s32 $0x9D50;
	[sflag:s26] =	ssyncadd.s32 $0xFFFFF060  }
0xb2: {  	v0 =	vld [tilespmem:s14+$0xFFFFFFD0];
	_ =	sdelay $0x3  }
0xb3: {  	s6 =	simm.s32 $0xFBD0  }
0xb4: {  	s12 =	simm.s32 $0xBCD0;
	[tilespmem:s6+$0xFFFFFFD0] =	vst v0  }
0xb5: {  	v0 =	vld [tilespmem:s12+$0xFFFFFFD0];
	_ =	sdelay $0x3  }
0xb6: {  	s13 =	simm.s32 $0x11B50  }
0xb7: {  	[tilespmem:s13+$0xFFFFFFD0] =	vst v0  }
0xb8: {  	v0 =	vld [tilespmem:s14+$0xFFFFFFE0];
	_ =	sdelay $0x4  }
0xb9: {  	[tilespmem:s6+$0xFFFFFFE0] =	vst v0  }
0xba: {  	v0 =	vld [tilespmem:s12+$0xFFFFFFE0];
	_ =	sdelay $0x4  }
0xbb: {  	[tilespmem:s13+$0xFFFFFFE0] =	vst v0  }
0xbc: {  	v0 =	vld [tilespmem:s14+$0xFFFFFFF0];
	_ =	sdelay $0x4  }
0xbd: {  	[tilespmem:s6+$0xFFFFFFF0] =	vst v0  }
0xbe: {  	v0 =	vld [tilespmem:s12+$0xFFFFFFF0];
	_ =	sdelay $0x4  }
0xbf: {  	[tilespmem:s13+$0xFFFFFFF0] =	vst v0  }
0xc0: {  	v0 =	vld [tilespmem:s14+$0x0];
	_ =	sdelay $0x4  }
0xc1: {  	[tilespmem:s6+$0x0] =	vst v0  }
0xc2: {  	v0 =	vld [tilespmem:s12+$0x0];
	_ =	sdelay $0x4  }
0xc3: {  	s15 =	simm.s32 $0x9D90;
	s14 =	simm.s32 $0x0;
	[tilespmem:s13+$0x0] =	vst v0  }
.LBB2_8:
0xc4: {  	v0 =	vld [tilespmem:s15+$0xFFFFFFD0];
	s14 =	sadd.s32 $0x4, s14  }
0xc5: {  	p1 =	slt.u32 s14, $0xF4;
	_ =	sdelay $0x2  }
0xc6: {  	s6 =	sadd.s32 $0x40, s6  }
0xc7: {  	s12 =	sadd.s32 $0x40, s12;
	[tilespmem:s6+$0xFFFFFFD0] =	vst v0  }
0xc8: {  	v0 =	vld [tilespmem:s12+$0xFFFFFFD0];
	_ =	sdelay $0x3  }
0xc9: {  	s13 =	sadd.s32 $0x40, s13  }
0xca: {  	[tilespmem:s13+$0xFFFFFFD0] =	vst v0  }
0xcb: {  	v0 =	vld [tilespmem:s15+$0xFFFFFFE0];
	_ =	sdelay $0x4  }
0xcc: {  	[tilespmem:s6+$0xFFFFFFE0] =	vst v0  }
0xcd: {  	v0 =	vld [tilespmem:s12+$0xFFFFFFE0];
	_ =	sdelay $0x4  }
0xce: {  	[tilespmem:s13+$0xFFFFFFE0] =	vst v0  }
0xcf: {  	v0 =	vld [tilespmem:s15+$0xFFFFFFF0];
	_ =	sdelay $0x4  }
0xd0: {  	[tilespmem:s6+$0xFFFFFFF0] =	vst v0  }
0xd1: {  	v0 =	vld [tilespmem:s12+$0xFFFFFFF0];
	_ =	sdelay $0x4  }
0xd2: {  	[tilespmem:s13+$0xFFFFFFF0] =	vst v0  }
0xd3: {  	v0 =	vld [tilespmem:s15+$0x0];
	_ =	sdelay $0x4  }
0xd4: {  	[tilespmem:s6+$0x0] =	vst v0  }
0xd5: {  	v0 =	vld [tilespmem:s12+$0x0]  }
.Ltmp8:
0xd6: {  	(pc) =	sbr.rel @p1 .LBB2_8-.Ltmp8, $2  }
0xd7: {  	_ =	sdelay $0x2  }
0xd8: {  	s15 =	sadd.s32 $0x40, s15;
	[tilespmem:s13+$0x0] =	vst v0  }
0xd9: {  	v0 =	vld [tilespmem:$0xACA0]  }
0xda: {  	v1 =	vld [tilespmem:$0xCC20]  }
0xdb: {  	v2 =	vld [tilespmem:$0xACB0]  }
0xdc: {  	v3 =	vld [tilespmem:$0xCC30];
	_ =	sdelay $0x1  }
0xdd: {  	[tilespmem:$0x10B20] =	vst v0  }
0xde: {  	s4 =	smul.u32 $0x1F4, s4;
	[tilespmem:$0x12AA0] =	vst v1  }
.Ltmp9:
0xdf: {  	[tilespmem:$0x10B30] =	vst v2;
	(pc) =	sbr.rel .LBB2_10-.Ltmp9, $4  }
0xe0: {  	s6 =	sadd.s32 s3, s4;
	[tilespmem:$0x12AB0] =	vst v3  }
0xe1: {  	[hbm4b:s6+s5] =	stream.linear.scatter [tilespmem:s28], [sflag:$0x5], $0xFA0, $0x38;
	[tilespmem:$0x12B00] =	vst v63  }
0xe2: {  	s4 =	sadd.s32 s11, s4  }
0xe3: {  	[hbm4b:s4+s5] =	stream.linear.scatter [tilespmem:s29], [sflag:$0x5], $0xFA0, $0x38;
	[tilespmem:$0x12B00] =	vst v63  }
.LBB2_12:
0xe4: {  	_ =	sfence.sel $0x180000  }
0xe5: {  	[bflag:$0x0] =	sbarrier.arrive $0xFFFF  }
0xe6: {  	_ =	strace $0x90000047  }
0xe7: {  	s0 =	stileid.u32;
	[bflag:$0x2] =	sbarrier.arrive $0xFFFF  }
0xe8: {  	p0 =	sne.s32 s0, $0x0;
	s0 =	rddreg [dreg:$0x4]  }
0xe9: {  	s0 =	sadd.s32 @!p0 $0x100000, s0  }
0xea: {  	[sflag:s0] =	ssyncadd.tile.s32 @!p0 $0x1;
	_ =	shalt  }
.Lfunc_end2:
_tile_overlayer_lowered:
.L_overlay_start_2:
0xeb: {  	(tag) =	ssettag $0x2  }
0xec: {  	s0 =	rddreg [dreg:$0x0];
	s2 =	stileid.u32  }
0xed: {  	s1 =	rddreg [dreg:$0x1];
	p0 =	sne.s32 s2, $0x0  }
0xee: {  	s3 =	rddreg [dreg:$0x2];
	[bflag:$0x3] =	sbarrier.arrive $0xFFFF;
	s2 =	simm.s32 @!p0 $0x1C06  }
0xef: {  	[timem:s3], [sflag:s2] =	dma.local @!p0 [hbm:s0], s1  }
0xf0: {  	s0 =	simm.s32 @!p0 $0x6  }
0xf1: {  	_ =	swait.ge @!p0 [sflag:s0], s1  }
0xf2: {  	s1 =	ssub.s32 @!p0 $0x0, s1;
	[sflag:s0] =	ssyncset.done @!p0 $0x0  }
0xf3: {  	[sflag:s0] =	ssyncadd.s32 @!p0 s1  }
0xf4: {  	[bflag:$0x3] =	sbarrier.arrive $0xFFFF  }
0xf5: {  	_ =	shalt  }

</sc_bundles>
